<compile_context>
chip_gen: v7x
topology: tpu7x:2x2x1
jax: 0.10.2.dev20260603
libtpu: 0.0.44.dev20260713+nightly
codegen_flags: <defaults>
</compile_context>

<pallas_src>
import functools
import jax
import jax.numpy as jnp
from jax import lax
from jax.experimental import pallas as pl
from jax.experimental.pallas import tpu as pltpu
from jax.experimental.pallas import tpu_sc as plsc

D = 128
_NC = 2
_NS = 16
_NW = _NC * _NS
_CHUNK = 128


def _matmul(x, W):
  n = x.shape[0]
  blk = 1000

  def body(x_ref, w_ref, o_ref):
    o_ref[...] = jnp.dot(x_ref[...], w_ref[...],
                         preferred_element_type=jnp.float32)

  return pl.pallas_call(
      body,
      grid=(n // blk,),
      in_specs=[pl.BlockSpec((blk, D), lambda i: (i, 0)),
                pl.BlockSpec((D, D), lambda i: (0, 0))],
      out_specs=pl.BlockSpec((blk, D), lambda i: (i, 0)),
      out_shape=jax.ShapeDtypeStruct((n, D), jnp.float32),
  )(x, W)


def _aggregate(support, row3, col3, n_pad, ch):
  rows_per_tile = n_pad // _NS
  mesh = plsc.VectorSubcoreMesh(core_axis_name="c", subcore_axis_name="s")
  zeros = jnp.zeros((rows_per_tile, D), jnp.float32)

  hch = ch // 2

  @functools.partial(
      pl.kernel,
      mesh=mesh,
      out_type=jax.ShapeDtypeStruct((_NC, n_pad, D), jnp.float32),
      scratch_types=[
          pltpu.VMEM((hch, _CHUNK), jnp.int32),
          pltpu.VMEM((hch, _CHUNK), jnp.int32),
          pltpu.VMEM((2, _CHUNK, D), jnp.float32),
          pltpu.VMEM_SHARED((n_pad, D), jnp.float32),
          pltpu.SemaphoreType.DMA,
          pltpu.SemaphoreType.DMA,
          pltpu.SemaphoreType.DMA,
          pltpu.SemaphoreType.DMA,
      ],
  )
  def agg(support_hbm, row_hbm, col_hbm, zero_hbm, out_hbm,
          row_v, col_v, buf, acc, gsem0, gsem1, ssem0, ssem1):
    c = lax.axis_index("c")
    s = lax.axis_index("s")
    wid = s * _NC + c
    base = s * rows_per_tile

    pltpu.sync_copy(zero_hbm, acc.at[pl.ds(base, rows_per_tile)])
    pltpu.sync_copy(acc.at[pl.ds(base + rows_per_tile - 8, 8)],
                    buf.at[0].at[pl.ds(0, 8)])
    plsc.subcore_barrier()

    for h in range(2):
      off = h * hch
      pltpu.sync_copy(row_hbm.at[wid].at[pl.ds(off, hch)], row_v)
      pltpu.sync_copy(col_hbm.at[wid].at[pl.ds(off, hch)], col_v)

      def wait_g(j, bi, sem):
        pltpu.make_async_copy(support_hbm.at[col_v.at[j]],
                              buf.at[bi], sem).wait()

      def start_s(j, bi, sem):
        pltpu.async_copy(buf.at[bi], acc.at[row_v.at[j]], sem, add=True)

      def wait_s(j, bi, sem):
        pltpu.make_async_copy(buf.at[bi], acc.at[row_v.at[j]], sem).wait()

      pltpu.async_copy(support_hbm.at[col_v.at[0]], buf.at[0], gsem0)
      pltpu.async_copy(support_hbm.at[col_v.at[1]], buf.at[1], gsem1)

      def body(jj, carry):
        j0 = jj * 2
        wait_g(j0, 0, gsem0)
        start_s(j0, 0, ssem0)
        wait_g(j0 + 1, 1, gsem1)
        start_s(j0 + 1, 1, ssem1)
        wait_s(j0, 0, ssem0)
        pltpu.async_copy(support_hbm.at[col_v.at[j0 + 2]], buf.at[0],
                         gsem0)
        wait_s(j0 + 1, 1, ssem1)
        pltpu.async_copy(support_hbm.at[col_v.at[j0 + 3]], buf.at[1],
                         gsem1)
        return carry

      lax.fori_loop(0, hch // 2 - 1, body, 0)

      wait_g(hch - 2, 0, gsem0)
      start_s(hch - 2, 0, ssem0)
      wait_g(hch - 1, 1, gsem1)
      start_s(hch - 1, 1, ssem1)
      wait_s(hch - 2, 0, ssem0)
      wait_s(hch - 1, 1, ssem1)

    pltpu.sync_copy(acc.at[pl.ds(base, 8)], buf.at[1].at[pl.ds(0, 8)])
    plsc.subcore_barrier()
    pltpu.sync_copy(acc.at[pl.ds(base, rows_per_tile)],
                    out_hbm.at[c].at[pl.ds(base, rows_per_tile)])

  return agg(support, row3, col3, zeros)


def _combine(parts, b2, n):
  blk = 1000

  def body(p_ref, b_ref, o_ref):
    o_ref[...] = p_ref[0] + p_ref[1] + b_ref[...]

  return pl.pallas_call(
      body,
      grid=(n // blk,),
      in_specs=[pl.BlockSpec((_NC, blk, D), lambda i: (0, i, 0)),
                pl.BlockSpec((1, D), lambda i: (0, 0))],
      out_specs=pl.BlockSpec((blk, D), lambda i: (i, 0)),
      out_shape=jax.ShapeDtypeStruct((n, D), jnp.float32),
  )(parts, b2)


def kernel(x, edge_index, W, b):
  n = x.shape[0]
  e = edge_index.shape[1]
  ch = -(-e // (_NW * _CHUNK))
  ch = -(-ch // 4) * 4
  e_pad = _NW * ch * _CHUNK
  n_pad = -(-(n + 1) // (_NS * 8)) * (_NS * 8)

  row = edge_index[0].astype(jnp.int32)
  col = edge_index[1].astype(jnp.int32)
  pad = e_pad - e
  if pad:
    pad_idx = jnp.arange(pad, dtype=jnp.int32)
    row = jnp.concatenate([row, n + pad_idx % (n_pad - n)])
    col = jnp.concatenate([col, pad_idx * 79 % n])
  row3 = row.reshape(_NW, ch, _CHUNK)
  col3 = col.reshape(_NW, ch, _CHUNK)

  support = _matmul(x, W)
  parts = _aggregate(support, row3, col3, n_pad, ch)
  return _combine(parts, b.reshape(1, D), n)

# --- scband reference (transcript-rebuilt; emitter-appended) ---
"""Pipeline reference for scband-graph-convolution-old-59081570123776 (READ-ONLY COPY).

The authoritative reference and input builder live on the scoring server;
editing this copy changes nothing except your own understanding.
"""

import jax, jax.numpy as jnp
import numpy as np

N_NODES = 10000
N_EDGES = 320000
D_IN = 128
D_OUT = 128


def setup_inputs(seed: int = 0) -> dict:
    key = jax.random.key(seed)
    k1, k2, k3, k4 = jax.random.split(key, 4)
    x = jax.random.normal(k1, (N_NODES, D_IN), dtype=jnp.float32)
    edge_index = jax.random.randint(k2, (2, N_EDGES), 0, N_NODES, dtype=jnp.int64)
    stdv = 1.0 / np.sqrt(D_OUT)
    W = jax.random.uniform(k3, (D_IN, D_OUT), dtype=jnp.float32, minval=-stdv, maxval=stdv)
    b = jax.random.uniform(k4, (D_OUT,), dtype=jnp.float32, minval=-stdv, maxval=stdv)
    return {"x": x, "edge_index": edge_index, "W": W, "b": b}


def reference(x, edge_index, W, b):
    # support = input @ weight
    support = jnp.dot(x, W)
    # output = spmm(adj, support): adj is a sparse COO matrix with ones at
    # (row=edge_index[0], col=edge_index[1]). Row i of output accumulates
    # support[col] for every edge (i, col) -> scatter-add by destination row.
    row = edge_index[0]
    col = edge_index[1]
    gathered = jnp.take(support, col, axis=0)
    output = jax.ops.segment_sum(gathered, row, num_segments=x.shape[0])
    # bias=True
    return output + b

if __name__ == "__main__":
    import jax
    _d = setup_inputs()
    print(jax.jit(kernel)(*tuple(_d.values())))

</pallas_src>

<mosaic_0001>
#map = affine_map<(d0, d1) -> (0, 0)>
#map1 = affine_map<(d0, d1) -> (0, 0, 0)>
module attributes {stable_mosaic.version = 14 : i64} {
  func.func @agg(%arg0: i32, %arg1: i32, %arg2: memref<10000x128xf32, #tpu.memory_space<hbm>>, %arg3: memref<32x80x128xi32, #tpu.memory_space<hbm>>, %arg4: memref<32x80x128xi32, #tpu.memory_space<hbm>>, %arg5: memref<632x128xf32, #tpu.memory_space<hbm>>, %arg6: memref<2x10112x128xf32, #tpu.memory_space<hbm>>, %arg7: memref<40x128xi32, #tpu.memory_space<vmem>>, %arg8: memref<40x128xi32, #tpu.memory_space<vmem>>, %arg9: memref<2x128x128xf32, #tpu.memory_space<vmem>>, %arg10: memref<10112x128xf32, #tpu.memory_space<vmem_shared>>, %arg11: memref<!tpu.dma_semaphore, #tpu.memory_space<semaphore_mem>>, %arg12: memref<!tpu.dma_semaphore, #tpu.memory_space<semaphore_mem>>, %arg13: memref<!tpu.dma_semaphore, #tpu.memory_space<semaphore_mem>>, %arg14: memref<!tpu.dma_semaphore, #tpu.memory_space<semaphore_mem>>) attributes {dimension_semantics = [#tpu.dimension_semantics<core_parallel>, #tpu.dimension_semantics<subcore_parallel>], iteration_bounds = array<i64: 2, 16>, scalar_prefetch = 0 : i64, scratch_operands = 8 : i64, tpu.core_type = #tpu.core_type<sc_vector_subcore>, window_params = [{transform_indices = #map}, {transform_indices = #map1}, {transform_indices = #map1}, {transform_indices = #map}, {transform_indices = #map1}]} {
    %mul3A = arith.constant 2 : i32
    %mul3A_0 = arith.muli %arg1, %mul3A : i32
    %add3A = arith.addi %mul3A_0, %arg0 : i32
    %mul3A_1 = arith.constant 632 : i32
    %mul3A_2 = arith.muli %arg1, %mul3A_1 : i32
    "tpu.region"() ({
      %run_scoped3A_209 = tpu.sem_alloc : memref<!tpu.dma_semaphore, #tpu.memory_space<semaphore_mem>>
      %dma_start3A_210 = arith.constant 0 : i32
      %dma_start3A_211 = tpu.memref_slice %arg10[%mul3A_2, %dma_start3A_210] : memref<10112x128xf32, #tpu.memory_space<vmem_shared>> -> memref<632x128xf32, #tpu.memory_space<vmem_shared>>
      tpu.enqueue_dma source(%arg5 : memref<632x128xf32, #tpu.memory_space<hbm>>) target(%dma_start3A_211 : memref<632x128xf32, #tpu.memory_space<vmem_shared>>) target_semaphore(%run_scoped3A_209 : memref<!tpu.dma_semaphore, #tpu.memory_space<semaphore_mem>>)
      %dma_wait3A_212 = arith.constant 0 : i32
      %dma_wait3A_213 = tpu.memref_slice %arg10[%mul3A_2, %dma_wait3A_212] : memref<10112x128xf32, #tpu.memory_space<vmem_shared>> -> memref<632x128xf32, #tpu.memory_space<vmem_shared>>
      tpu.wait_dma2 semaphore(%run_scoped3A_209 : memref<!tpu.dma_semaphore, #tpu.memory_space<semaphore_mem>>) src(%arg5 : memref<632x128xf32, #tpu.memory_space<hbm>>) dst(%dma_wait3A_213 : memref<632x128xf32, #tpu.memory_space<vmem_shared>>)
      tpu.yield
    }) : () -> ()
    %add3A_3 = arith.constant 632 : i32
    %add3A_4 = arith.addi %mul3A_2, %add3A_3 : i32
    %sub3A = arith.constant 8 : i32
    %sub3A_5 = arith.subi %add3A_4, %sub3A : i32
    %run_scoped3A = arith.constant 0 : i32
    "tpu.region"() ({
      %run_scoped3A_209 = tpu.sem_alloc : memref<!tpu.dma_semaphore, #tpu.memory_space<semaphore_mem>>
      %dma_start3A_210 = arith.constant 0 : i32
      %dma_start3A_211 = arith.constant 0 : i32
      %dma_start3A_212 = tpu.memref_slice %arg9[%run_scoped3A, %dma_start3A_210, %dma_start3A_211] : memref<2x128x128xf32, #tpu.memory_space<vmem>> -> memref<1x128x128xf32, #tpu.memory_space<vmem>>
      %dma_start3A_213 = tpu.memref_squeeze %dma_start3A_212 : memref<1x128x128xf32, #tpu.memory_space<vmem>> -> memref<128x128xf32, #tpu.memory_space<vmem>>
      %dma_start3A_214 = arith.constant 0 : i32
      %dma_start3A_215 = arith.constant 0 : i32
      %dma_start3A_216 = tpu.memref_slice %dma_start3A_213[%dma_start3A_214, %dma_start3A_215] : memref<128x128xf32, #tpu.memory_space<vmem>> -> memref<8x128xf32, #tpu.memory_space<vmem>>
      %dma_start3A_217 = arith.constant 0 : i32
      %dma_start3A_218 = tpu.memref_slice %arg10[%sub3A_5, %dma_start3A_217] : memref<10112x128xf32, #tpu.memory_space<vmem_shared>> -> memref<8x128xf32, #tpu.memory_space<vmem_shared>>
      %dma_start3A_219 = arith.constant 0 : i32
      %dma_start3A_220 = arith.constant 0 : i32
      %dma_start3A_221 = tpu.memref_slice %arg9[%run_scoped3A, %dma_start3A_219, %dma_start3A_220] : memref<2x128x128xf32, #tpu.memory_space<vmem>> -> memref<1x128x128xf32, #tpu.memory_space<vmem>>
      %dma_start3A_222 = tpu.memref_squeeze %dma_start3A_221 : memref<1x128x128xf32, #tpu.memory_space<vmem>> -> memref<128x128xf32, #tpu.memory_space<vmem>>
      %dma_start3A_223 = arith.constant 0 : i32
      %dma_start3A_224 = arith.constant 0 : i32
      %dma_start3A_225 = tpu.memref_slice %dma_start3A_222[%dma_start3A_223, %dma_start3A_224] : memref<128x128xf32, #tpu.memory_space<vmem>> -> memref<8x128xf32, #tpu.memory_space<vmem>>
      %dma_start3A_226 = arith.constant 0 : i32
      %dma_start3A_227 = tpu.memref_slice %arg10[%sub3A_5, %dma_start3A_226] : memref<10112x128xf32, #tpu.memory_space<vmem_shared>> -> memref<8x128xf32, #tpu.memory_space<vmem_shared>>
      tpu.enqueue_dma source(%dma_start3A_227 : memref<8x128xf32, #tpu.memory_space<vmem_shared>>) target(%dma_start3A_225 : memref<8x128xf32, #tpu.memory_space<vmem>>) target_semaphore(%run_scoped3A_209 : memref<!tpu.dma_semaphore, #tpu.memory_space<semaphore_mem>>)
      %dma_wait3A_228 = arith.constant 0 : i32
      %dma_wait3A_229 = arith.constant 0 : i32
      %dma_wait3A_230 = tpu.memref_slice %arg9[%run_scoped3A, %dma_wait3A_228, %dma_wait3A_229] : memref<2x128x128xf32, #tpu.memory_space<vmem>> -> memref<1x128x128xf32, #tpu.memory_space<vmem>>
      %dma_wait3A_231 = tpu.memref_squeeze %dma_wait3A_230 : memref<1x128x128xf32, #tpu.memory_space<vmem>> -> memref<128x128xf32, #tpu.memory_space<vmem>>
      %dma_wait3A_232 = arith.constant 0 : i32
      %dma_wait3A_233 = arith.constant 0 : i32
      %dma_wait3A_234 = tpu.memref_slice %dma_wait3A_231[%dma_wait3A_232, %dma_wait3A_233] : memref<128x128xf32, #tpu.memory_space<vmem>> -> memref<8x128xf32, #tpu.memory_space<vmem>>
      %dma_wait3A_235 = arith.constant 0 : i32
      %dma_wait3A_236 = tpu.memref_slice %arg10[%sub3A_5, %dma_wait3A_235] : memref<10112x128xf32, #tpu.memory_space<vmem_shared>> -> memref<8x128xf32, #tpu.memory_space<vmem_shared>>
      %dma_wait3A_237 = arith.constant 0 : i32
      %dma_wait3A_238 = arith.constant 0 : i32
      %dma_wait3A_239 = tpu.memref_slice %arg9[%run_scoped3A, %dma_wait3A_237, %dma_wait3A_238] : memref<2x128x128xf32, #tpu.memory_space<vmem>> -> memref<1x128x128xf32, #tpu.memory_space<vmem>>
      %dma_wait3A_240 = tpu.memref_squeeze %dma_wait3A_239 : memref<1x128x128xf32, #tpu.memory_space<vmem>> -> memref<128x128xf32, #tpu.memory_space<vmem>>
      %dma_wait3A_241 = arith.constant 0 : i32
      %dma_wait3A_242 = arith.constant 0 : i32
      %dma_wait3A_243 = tpu.memref_slice %dma_wait3A_240[%dma_wait3A_241, %dma_wait3A_242] : memref<128x128xf32, #tpu.memory_space<vmem>> -> memref<8x128xf32, #tpu.memory_space<vmem>>
      %dma_wait3A_244 = arith.constant 0 : i32
      %dma_wait3A_245 = tpu.memref_slice %arg10[%sub3A_5, %dma_wait3A_244] : memref<10112x128xf32, #tpu.memory_space<vmem_shared>> -> memref<8x128xf32, #tpu.memory_space<vmem_shared>>
      tpu.wait_dma2 semaphore(%run_scoped3A_209 : memref<!tpu.dma_semaphore, #tpu.memory_space<semaphore_mem>>) src(%dma_wait3A_245 : memref<8x128xf32, #tpu.memory_space<vmem_shared>>) dst(%dma_wait3A_243 : memref<8x128xf32, #tpu.memory_space<vmem>>)
      tpu.yield
    }) : () -> ()
    %barrier3A = arith.constant 0 : index
    tpu.barrier barrier_id(%barrier3A)
    "tpu.region"() ({
      %run_scoped3A_209 = tpu.sem_alloc : memref<!tpu.dma_semaphore, #tpu.memory_space<semaphore_mem>>
      %dma_start3A_210 = arith.constant 0 : i32
      %dma_start3A_211 = arith.constant 0 : i32
      %dma_start3A_212 = tpu.memref_slice %arg3[%add3A, %dma_start3A_210, %dma_start3A_211] : memref<32x80x128xi32, #tpu.memory_space<hbm>> -> memref<1x80x128xi32, #tpu.memory_space<hbm>>
      %dma_start3A_213 = tpu.memref_squeeze %dma_start3A_212 : memref<1x80x128xi32, #tpu.memory_space<hbm>> -> memref<80x128xi32, #tpu.memory_space<hbm>>
      %dma_start3A_214 = arith.constant 0 : i32
      %dma_start3A_215 = arith.constant 0 : i32
      %dma_start3A_216 = tpu.memref_slice %dma_start3A_213[%dma_start3A_214, %dma_start3A_215] : memref<80x128xi32, #tpu.memory_space<hbm>> -> memref<40x128xi32, #tpu.memory_space<hbm>>
      %dma_start3A_217 = arith.constant 0 : i32
      %dma_start3A_218 = arith.constant 0 : i32
      %dma_start3A_219 = tpu.memref_slice %arg3[%add3A, %dma_start3A_217, %dma_start3A_218] : memref<32x80x128xi32, #tpu.memory_space<hbm>> -> memref<1x80x128xi32, #tpu.memory_space<hbm>>
      %dma_start3A_220 = tpu.memref_squeeze %dma_start3A_219 : memref<1x80x128xi32, #tpu.memory_space<hbm>> -> memref<80x128xi32, #tpu.memory_space<hbm>>
      %dma_start3A_221 = arith.constant 0 : i32
      %dma_start3A_222 = arith.constant 0 : i32
      %dma_start3A_223 = tpu.memref_slice %dma_start3A_220[%dma_start3A_221, %dma_start3A_222] : memref<80x128xi32, #tpu.memory_space<hbm>> -> memref<40x128xi32, #tpu.memory_space<hbm>>
      tpu.enqueue_dma source(%dma_start3A_223 : memref<40x128xi32, #tpu.memory_space<hbm>>) target(%arg7 : memref<40x128xi32, #tpu.memory_space<vmem>>) target_semaphore(%run_scoped3A_209 : memref<!tpu.dma_semaphore, #tpu.memory_space<semaphore_mem>>)
      %dma_wait3A_224 = arith.constant 0 : i32
      %dma_wait3A_225 = arith.constant 0 : i32
      %dma_wait3A_226 = tpu.memref_slice %arg3[%add3A, %dma_wait3A_224, %dma_wait3A_225] : memref<32x80x128xi32, #tpu.memory_space<hbm>> -> memref<1x80x128xi32, #tpu.memory_space<hbm>>
      %dma_wait3A_227 = tpu.memref_squeeze %dma_wait3A_226 : memref<1x80x128xi32, #tpu.memory_space<hbm>> -> memref<80x128xi32, #tpu.memory_space<hbm>>
      %dma_wait3A_228 = arith.constant 0 : i32
      %dma_wait3A_229 = arith.constant 0 : i32
      %dma_wait3A_230 = tpu.memref_slice %dma_wait3A_227[%dma_wait3A_228, %dma_wait3A_229] : memref<80x128xi32, #tpu.memory_space<hbm>> -> memref<40x128xi32, #tpu.memory_space<hbm>>
      %dma_wait3A_231 = arith.constant 0 : i32
      %dma_wait3A_232 = arith.constant 0 : i32
      %dma_wait3A_233 = tpu.memref_slice %arg3[%add3A, %dma_wait3A_231, %dma_wait3A_232] : memref<32x80x128xi32, #tpu.memory_space<hbm>> -> memref<1x80x128xi32, #tpu.memory_space<hbm>>
      %dma_wait3A_234 = tpu.memref_squeeze %dma_wait3A_233 : memref<1x80x128xi32, #tpu.memory_space<hbm>> -> memref<80x128xi32, #tpu.memory_space<hbm>>
      %dma_wait3A_235 = arith.constant 0 : i32
      %dma_wait3A_236 = arith.constant 0 : i32
      %dma_wait3A_237 = tpu.memref_slice %dma_wait3A_234[%dma_wait3A_235, %dma_wait3A_236] : memref<80x128xi32, #tpu.memory_space<hbm>> -> memref<40x128xi32, #tpu.memory_space<hbm>>
      tpu.wait_dma2 semaphore(%run_scoped3A_209 : memref<!tpu.dma_semaphore, #tpu.memory_space<semaphore_mem>>) src(%dma_wait3A_237 : memref<40x128xi32, #tpu.memory_space<hbm>>) dst(%arg7 : memref<40x128xi32, #tpu.memory_space<vmem>>)
      tpu.yield
    }) : () -> ()
    "tpu.region"() ({
      %run_scoped3A_209 = tpu.sem_alloc : memref<!tpu.dma_semaphore, #tpu.memory_space<semaphore_mem>>
      %dma_start3A_210 = arith.constant 0 : i32
      %dma_start3A_211 = arith.constant 0 : i32
      %dma_start3A_212 = tpu.memref_slice %arg4[%add3A, %dma_start3A_210, %dma_start3A_211] : memref<32x80x128xi32, #tpu.memory_space<hbm>> -> memref<1x80x128xi32, #tpu.memory_space<hbm>>
      %dma_start3A_213 = tpu.memref_squeeze %dma_start3A_212 : memref<1x80x128xi32, #tpu.memory_space<hbm>> -> memref<80x128xi32, #tpu.memory_space<hbm>>
      %dma_start3A_214 = arith.constant 0 : i32
      %dma_start3A_215 = arith.constant 0 : i32
      %dma_start3A_216 = tpu.memref_slice %dma_start3A_213[%dma_start3A_214, %dma_start3A_215] : memref<80x128xi32, #tpu.memory_space<hbm>> -> memref<40x128xi32, #tpu.memory_space<hbm>>
      %dma_start3A_217 = arith.constant 0 : i32
      %dma_start3A_218 = arith.constant 0 : i32
      %dma_start3A_219 = tpu.memref_slice %arg4[%add3A, %dma_start3A_217, %dma_start3A_218] : memref<32x80x128xi32, #tpu.memory_space<hbm>> -> memref<1x80x128xi32, #tpu.memory_space<hbm>>
      %dma_start3A_220 = tpu.memref_squeeze %dma_start3A_219 : memref<1x80x128xi32, #tpu.memory_space<hbm>> -> memref<80x128xi32, #tpu.memory_space<hbm>>
      %dma_start3A_221 = arith.constant 0 : i32
      %dma_start3A_222 = arith.constant 0 : i32
      %dma_start3A_223 = tpu.memref_slice %dma_start3A_220[%dma_start3A_221, %dma_start3A_222] : memref<80x128xi32, #tpu.memory_space<hbm>> -> memref<40x128xi32, #tpu.memory_space<hbm>>
      tpu.enqueue_dma source(%dma_start3A_223 : memref<40x128xi32, #tpu.memory_space<hbm>>) target(%arg8 : memref<40x128xi32, #tpu.memory_space<vmem>>) target_semaphore(%run_scoped3A_209 : memref<!tpu.dma_semaphore, #tpu.memory_space<semaphore_mem>>)
      %dma_wait3A_224 = arith.constant 0 : i32
      %dma_wait3A_225 = arith.constant 0 : i32
      %dma_wait3A_226 = tpu.memref_slice %arg4[%add3A, %dma_wait3A_224, %dma_wait3A_225] : memref<32x80x128xi32, #tpu.memory_space<hbm>> -> memref<1x80x128xi32, #tpu.memory_space<hbm>>
      %dma_wait3A_227 = tpu.memref_squeeze %dma_wait3A_226 : memref<1x80x128xi32, #tpu.memory_space<hbm>> -> memref<80x128xi32, #tpu.memory_space<hbm>>
      %dma_wait3A_228 = arith.constant 0 : i32
      %dma_wait3A_229 = arith.constant 0 : i32
      %dma_wait3A_230 = tpu.memref_slice %dma_wait3A_227[%dma_wait3A_228, %dma_wait3A_229] : memref<80x128xi32, #tpu.memory_space<hbm>> -> memref<40x128xi32, #tpu.memory_space<hbm>>
      %dma_wait3A_231 = arith.constant 0 : i32
      %dma_wait3A_232 = arith.constant 0 : i32
      %dma_wait3A_233 = tpu.memref_slice %arg4[%add3A, %dma_wait3A_231, %dma_wait3A_232] : memref<32x80x128xi32, #tpu.memory_space<hbm>> -> memref<1x80x128xi32, #tpu.memory_space<hbm>>
      %dma_wait3A_234 = tpu.memref_squeeze %dma_wait3A_233 : memref<1x80x128xi32, #tpu.memory_space<hbm>> -> memref<80x128xi32, #tpu.memory_space<hbm>>
      %dma_wait3A_235 = arith.constant 0 : i32
      %dma_wait3A_236 = arith.constant 0 : i32
      %dma_wait3A_237 = tpu.memref_slice %dma_wait3A_234[%dma_wait3A_235, %dma_wait3A_236] : memref<80x128xi32, #tpu.memory_space<hbm>> -> memref<40x128xi32, #tpu.memory_space<hbm>>
      tpu.wait_dma2 semaphore(%run_scoped3A_209 : memref<!tpu.dma_semaphore, #tpu.memory_space<semaphore_mem>>) src(%dma_wait3A_237 : memref<40x128xi32, #tpu.memory_space<hbm>>) dst(%arg8 : memref<40x128xi32, #tpu.memory_space<vmem>>)
      tpu.yield
    }) : () -> ()
    %dma_start3A = arith.constant 0 : i32
    %dma_start3A_6 = arith.constant 0 : i32
    %dma_start3A_7 = arith.constant 0 : i32
    %dma_start3A_8 = arith.constant 0 : i32
    %dma_start3A_9 = tpu.memref_slice %arg9[%dma_start3A_6, %dma_start3A_7, %dma_start3A_8] : memref<2x128x128xf32, #tpu.memory_space<vmem>> -> memref<1x128x128xf32, #tpu.memory_space<vmem>>
    %dma_start3A_10 = tpu.memref_squeeze %dma_start3A_9 : memref<1x128x128xf32, #tpu.memory_space<vmem>> -> memref<128x128xf32, #tpu.memory_space<vmem>>
    %dma_start3A_11 = arith.constant 0 : i32
    %dma_start3A_12 = tpu.memref_slice %arg8[%dma_start3A, %dma_start3A_11] : memref<40x128xi32, #tpu.memory_space<vmem>> -> memref<1x128xi32, #tpu.memory_space<vmem>>
    %dma_start3A_13 = tpu.memref_squeeze %dma_start3A_12 : memref<1x128xi32, #tpu.memory_space<vmem>> -> memref<128xi32, #tpu.memory_space<vmem>>
    %dma_start3A_14 = arith.constant 0 : i32
    %dma_start3A_15 = arith.constant 0 : i32
    %dma_start3A_16 = tpu.memref_slice %arg2[%dma_start3A_14, %dma_start3A_15] : memref<10000x128xf32, #tpu.memory_space<hbm>> -> memref<10000x128xf32, #tpu.memory_space<hbm>>
    tpu.enqueue_indirect_dma source(%dma_start3A_16 : memref<10000x128xf32, #tpu.memory_space<hbm>>) target(%dma_start3A_10 : memref<128x128xf32, #tpu.memory_space<vmem>>) offsets(%dma_start3A_13 : memref<128xi32, #tpu.memory_space<vmem>>) semaphore(%arg11 : memref<!tpu.dma_semaphore, #tpu.memory_space<semaphore_mem>>)
    %dma_start3A_17 = arith.constant 1 : i32
    %dma_start3A_18 = arith.constant 1 : i32
    %dma_start3A_19 = arith.constant 0 : i32
    %dma_start3A_20 = arith.constant 0 : i32
    %dma_start3A_21 = tpu.memref_slice %arg9[%dma_start3A_18, %dma_start3A_19, %dma_start3A_20] : memref<2x128x128xf32, #tpu.memory_space<vmem>> -> memref<1x128x128xf32, #tpu.memory_space<vmem>>
    %dma_start3A_22 = tpu.memref_squeeze %dma_start3A_21 : memref<1x128x128xf32, #tpu.memory_space<vmem>> -> memref<128x128xf32, #tpu.memory_space<vmem>>
    %dma_start3A_23 = arith.constant 0 : i32
    %dma_start3A_24 = tpu.memref_slice %arg8[%dma_start3A_17, %dma_start3A_23] : memref<40x128xi32, #tpu.memory_space<vmem>> -> memref<1x128xi32, #tpu.memory_space<vmem>>
    %dma_start3A_25 = tpu.memref_squeeze %dma_start3A_24 : memref<1x128xi32, #tpu.memory_space<vmem>> -> memref<128xi32, #tpu.memory_space<vmem>>
    %dma_start3A_26 = arith.constant 0 : i32
    %dma_start3A_27 = arith.constant 0 : i32
    %dma_start3A_28 = tpu.memref_slice %arg2[%dma_start3A_26, %dma_start3A_27] : memref<10000x128xf32, #tpu.memory_space<hbm>> -> memref<10000x128xf32, #tpu.memory_space<hbm>>
    tpu.enqueue_indirect_dma source(%dma_start3A_28 : memref<10000x128xf32, #tpu.memory_space<hbm>>) target(%dma_start3A_22 : memref<128x128xf32, #tpu.memory_space<vmem>>) offsets(%dma_start3A_25 : memref<128xi32, #tpu.memory_space<vmem>>) semaphore(%arg12 : memref<!tpu.dma_semaphore, #tpu.memory_space<semaphore_mem>>)
    %scan3A = arith.constant 0 : i32
    %scan3A_29 = arith.constant 0 : i32
    %scan3A_30 = arith.constant 19 : i32
    %scan3A_31 = arith.addi %scan3A_29, %scan3A_30 : i32
    %scan3A_32 = arith.constant 1 : i32
    scf.for %scan3A_209 = %scan3A_29 to %scan3A_31 step %scan3A_32  : i32 {
      %mul3A_210 = arith.constant 2 : i32
      %mul3A_211 = arith.muli %scan3A_209, %mul3A_210 : i32
      %dma_wait3A_212 = arith.constant 0 : i32
      %dma_wait3A_213 = arith.constant 0 : i32
      %dma_wait3A_214 = arith.constant 0 : i32
      %dma_wait3A_215 = tpu.memref_slice %arg9[%dma_wait3A_212, %dma_wait3A_213, %dma_wait3A_214] : memref<2x128x128xf32, #tpu.memory_space<vmem>> -> memref<1x128x128xf32, #tpu.memory_space<vmem>>
      %dma_wait3A_216 = tpu.memref_squeeze %dma_wait3A_215 : memref<1x128x128xf32, #tpu.memory_space<vmem>> -> memref<128x128xf32, #tpu.memory_space<vmem>>
      %dma_wait3A_217 = arith.constant 0 : i32
      %dma_wait3A_218 = tpu.memref_slice %arg8[%mul3A_211, %dma_wait3A_217] : memref<40x128xi32, #tpu.memory_space<vmem>> -> memref<1x128xi32, #tpu.memory_space<vmem>>
      %dma_wait3A_219 = tpu.memref_squeeze %dma_wait3A_218 : memref<1x128xi32, #tpu.memory_space<vmem>> -> memref<128xi32, #tpu.memory_space<vmem>>
      %dma_wait3A_220 = arith.constant 0 : i32
      %dma_wait3A_221 = arith.constant 0 : i32
      %dma_wait3A_222 = tpu.memref_slice %arg2[%dma_wait3A_220, %dma_wait3A_221] : memref<10000x128xf32, #tpu.memory_space<hbm>> -> memref<10000x128xf32, #tpu.memory_space<hbm>>
      tpu.wait_indirect_dma semaphore(%arg11 : memref<!tpu.dma_semaphore, #tpu.memory_space<semaphore_mem>>) src(%dma_wait3A_222 : memref<10000x128xf32, #tpu.memory_space<hbm>>) dst(%dma_wait3A_216 : memref<128x128xf32, #tpu.memory_space<vmem>>)
      %dma_start3A_223 = arith.constant 0 : i32
      %dma_start3A_224 = arith.constant 0 : i32
      %dma_start3A_225 = arith.constant 0 : i32
      %dma_start3A_226 = tpu.memref_slice %arg9[%dma_start3A_223, %dma_start3A_224, %dma_start3A_225] : memref<2x128x128xf32, #tpu.memory_space<vmem>> -> memref<1x128x128xf32, #tpu.memory_space<vmem>>
      %dma_start3A_227 = tpu.memref_squeeze %dma_start3A_226 : memref<1x128x128xf32, #tpu.memory_space<vmem>> -> memref<128x128xf32, #tpu.memory_space<vmem>>
      %dma_start3A_228 = arith.constant 0 : i32
      %dma_start3A_229 = tpu.memref_slice %arg7[%mul3A_211, %dma_start3A_228] : memref<40x128xi32, #tpu.memory_space<vmem>> -> memref<1x128xi32, #tpu.memory_space<vmem>>
      %dma_start3A_230 = tpu.memref_squeeze %dma_start3A_229 : memref<1x128xi32, #tpu.memory_space<vmem>> -> memref<128xi32, #tpu.memory_space<vmem>>
      %dma_start3A_231 = arith.constant 0 : i32
      %dma_start3A_232 = arith.constant 0 : i32
      %dma_start3A_233 = tpu.memref_slice %arg10[%dma_start3A_231, %dma_start3A_232] : memref<10112x128xf32, #tpu.memory_space<vmem_shared>> -> memref<10112x128xf32, #tpu.memory_space<vmem_shared>>
      tpu.enqueue_indirect_dma source(%dma_start3A_227 : memref<128x128xf32, #tpu.memory_space<vmem>>) target(%dma_start3A_233 : memref<10112x128xf32, #tpu.memory_space<vmem_shared>>) offsets(%dma_start3A_230 : memref<128xi32, #tpu.memory_space<vmem>>) semaphore(%arg13 : memref<!tpu.dma_semaphore, #tpu.memory_space<semaphore_mem>>) {add = true}
      %add3A_234 = arith.constant 1 : i32
      %add3A_235 = arith.addi %mul3A_211, %add3A_234 : i32
      %dma_wait3A_236 = arith.constant 1 : i32
      %dma_wait3A_237 = arith.constant 0 : i32
      %dma_wait3A_238 = arith.constant 0 : i32
      %dma_wait3A_239 = tpu.memref_slice %arg9[%dma_wait3A_236, %dma_wait3A_237, %dma_wait3A_238] : memref<2x128x128xf32, #tpu.memory_space<vmem>> -> memref<1x128x128xf32, #tpu.memory_space<vmem>>
      %dma_wait3A_240 = tpu.memref_squeeze %dma_wait3A_239 : memref<1x128x128xf32, #tpu.memory_space<vmem>> -> memref<128x128xf32, #tpu.memory_space<vmem>>
      %dma_wait3A_241 = arith.constant 0 : i32
      %dma_wait3A_242 = tpu.memref_slice %arg8[%add3A_235, %dma_wait3A_241] : memref<40x128xi32, #tpu.memory_space<vmem>> -> memref<1x128xi32, #tpu.memory_space<vmem>>
      %dma_wait3A_243 = tpu.memref_squeeze %dma_wait3A_242 : memref<1x128xi32, #tpu.memory_space<vmem>> -> memref<128xi32, #tpu.memory_space<vmem>>
      %dma_wait3A_244 = arith.constant 0 : i32
      %dma_wait3A_245 = arith.constant 0 : i32
      %dma_wait3A_246 = tpu.memref_slice %arg2[%dma_wait3A_244, %dma_wait3A_245] : memref<10000x128xf32, #tpu.memory_space<hbm>> -> memref<10000x128xf32, #tpu.memory_space<hbm>>
      tpu.wait_indirect_dma semaphore(%arg12 : memref<!tpu.dma_semaphore, #tpu.memory_space<semaphore_mem>>) src(%dma_wait3A_246 : memref<10000x128xf32, #tpu.memory_space<hbm>>) dst(%dma_wait3A_240 : memref<128x128xf32, #tpu.memory_space<vmem>>)
      %add3A_247 = arith.constant 1 : i32
      %add3A_248 = arith.addi %mul3A_211, %add3A_247 : i32
      %dma_start3A_249 = arith.constant 1 : i32
      %dma_start3A_250 = arith.constant 0 : i32
      %dma_start3A_251 = arith.constant 0 : i32
      %dma_start3A_252 = tpu.memref_slice %arg9[%dma_start3A_249, %dma_start3A_250, %dma_start3A_251] : memref<2x128x128xf32, #tpu.memory_space<vmem>> -> memref<1x128x128xf32, #tpu.memory_space<vmem>>
      %dma_start3A_253 = tpu.memref_squeeze %dma_start3A_252 : memref<1x128x128xf32, #tpu.memory_space<vmem>> -> memref<128x128xf32, #tpu.memory_space<vmem>>
      %dma_start3A_254 = arith.constant 0 : i32
      %dma_start3A_255 = tpu.memref_slice %arg7[%add3A_248, %dma_start3A_254] : memref<40x128xi32, #tpu.memory_space<vmem>> -> memref<1x128xi32, #tpu.memory_space<vmem>>
      %dma_start3A_256 = tpu.memref_squeeze %dma_start3A_255 : memref<1x128xi32, #tpu.memory_space<vmem>> -> memref<128xi32, #tpu.memory_space<vmem>>
      %dma_start3A_257 = arith.constant 0 : i32
      %dma_start3A_258 = arith.constant 0 : i32
      %dma_start3A_259 = tpu.memref_slice %arg10[%dma_start3A_257, %dma_start3A_258] : memref<10112x128xf32, #tpu.memory_space<vmem_shared>> -> memref<10112x128xf32, #tpu.memory_space<vmem_shared>>
      tpu.enqueue_indirect_dma source(%dma_start3A_253 : memref<128x128xf32, #tpu.memory_space<vmem>>) target(%dma_start3A_259 : memref<10112x128xf32, #tpu.memory_space<vmem_shared>>) offsets(%dma_start3A_256 : memref<128xi32, #tpu.memory_space<vmem>>) semaphore(%arg14 : memref<!tpu.dma_semaphore, #tpu.memory_space<semaphore_mem>>) {add = true}
      %dma_wait3A_260 = arith.constant 0 : i32
      %dma_wait3A_261 = arith.constant 0 : i32
      %dma_wait3A_262 = arith.constant 0 : i32
      %dma_wait3A_263 = tpu.memref_slice %arg9[%dma_wait3A_260, %dma_wait3A_261, %dma_wait3A_262] : memref<2x128x128xf32, #tpu.memory_space<vmem>> -> memref<1x128x128xf32, #tpu.memory_space<vmem>>
      %dma_wait3A_264 = tpu.memref_squeeze %dma_wait3A_263 : memref<1x128x128xf32, #tpu.memory_space<vmem>> -> memref<128x128xf32, #tpu.memory_space<vmem>>
      %dma_wait3A_265 = arith.constant 0 : i32
      %dma_wait3A_266 = tpu.memref_slice %arg7[%mul3A_211, %dma_wait3A_265] : memref<40x128xi32, #tpu.memory_space<vmem>> -> memref<1x128xi32, #tpu.memory_space<vmem>>
      %dma_wait3A_267 = tpu.memref_squeeze %dma_wait3A_266 : memref<1x128xi32, #tpu.memory_space<vmem>> -> memref<128xi32, #tpu.memory_space<vmem>>
      %dma_wait3A_268 = arith.constant 0 : i32
      %dma_wait3A_269 = arith.constant 0 : i32
      %dma_wait3A_270 = tpu.memref_slice %arg10[%dma_wait3A_268, %dma_wait3A_269] : memref<10112x128xf32, #tpu.memory_space<vmem_shared>> -> memref<10112x128xf32, #tpu.memory_space<vmem_shared>>
      tpu.wait_indirect_dma semaphore(%arg13 : memref<!tpu.dma_semaphore, #tpu.memory_space<semaphore_mem>>) src(%dma_wait3A_264 : memref<128x128xf32, #tpu.memory_space<vmem>>) dst(%dma_wait3A_270 : memref<10112x128xf32, #tpu.memory_space<vmem_shared>>)
      %add3A_271 = arith.constant 2 : i32
      %add3A_272 = arith.addi %mul3A_211, %add3A_271 : i32
      %dma_start3A_273 = arith.constant 0 : i32
      %dma_start3A_274 = arith.constant 0 : i32
      %dma_start3A_275 = arith.constant 0 : i32
      %dma_start3A_276 = tpu.memref_slice %arg9[%dma_start3A_273, %dma_start3A_274, %dma_start3A_275] : memref<2x128x128xf32, #tpu.memory_space<vmem>> -> memref<1x128x128xf32, #tpu.memory_space<vmem>>
      %dma_start3A_277 = tpu.memref_squeeze %dma_start3A_276 : memref<1x128x128xf32, #tpu.memory_space<vmem>> -> memref<128x128xf32, #tpu.memory_space<vmem>>
      %dma_start3A_278 = arith.constant 0 : i32
      %dma_start3A_279 = tpu.memref_slice %arg8[%add3A_272, %dma_start3A_278] : memref<40x128xi32, #tpu.memory_space<vmem>> -> memref<1x128xi32, #tpu.memory_space<vmem>>
      %dma_start3A_280 = tpu.memref_squeeze %dma_start3A_279 : memref<1x128xi32, #tpu.memory_space<vmem>> -> memref<128xi32, #tpu.memory_space<vmem>>
      %dma_start3A_281 = arith.constant 0 : i32
      %dma_start3A_282 = arith.constant 0 : i32
      %dma_start3A_283 = tpu.memref_slice %arg2[%dma_start3A_281, %dma_start3A_282] : memref<10000x128xf32, #tpu.memory_space<hbm>> -> memref<10000x128xf32, #tpu.memory_space<hbm>>
      tpu.enqueue_indirect_dma source(%dma_start3A_283 : memref<10000x128xf32, #tpu.memory_space<hbm>>) target(%dma_start3A_277 : memref<128x128xf32, #tpu.memory_space<vmem>>) offsets(%dma_start3A_280 : memref<128xi32, #tpu.memory_space<vmem>>) semaphore(%arg11 : memref<!tpu.dma_semaphore, #tpu.memory_space<semaphore_mem>>)
      %add3A_284 = arith.constant 1 : i32
      %add3A_285 = arith.addi %mul3A_211, %add3A_284 : i32
      %dma_wait3A_286 = arith.constant 1 : i32
      %dma_wait3A_287 = arith.constant 0 : i32
      %dma_wait3A_288 = arith.constant 0 : i32
      %dma_wait3A_289 = tpu.memref_slice %arg9[%dma_wait3A_286, %dma_wait3A_287, %dma_wait3A_288] : memref<2x128x128xf32, #tpu.memory_space<vmem>> -> memref<1x128x128xf32, #tpu.memory_space<vmem>>
      %dma_wait3A_290 = tpu.memref_squeeze %dma_wait3A_289 : memref<1x128x128xf32, #tpu.memory_space<vmem>> -> memref<128x128xf32, #tpu.memory_space<vmem>>
      %dma_wait3A_291 = arith.constant 0 : i32
      %dma_wait3A_292 = tpu.memref_slice %arg7[%add3A_285, %dma_wait3A_291] : memref<40x128xi32, #tpu.memory_space<vmem>> -> memref<1x128xi32, #tpu.memory_space<vmem>>
      %dma_wait3A_293 = tpu.memref_squeeze %dma_wait3A_292 : memref<1x128xi32, #tpu.memory_space<vmem>> -> memref<128xi32, #tpu.memory_space<vmem>>
      %dma_wait3A_294 = arith.constant 0 : i32
      %dma_wait3A_295 = arith.constant 0 : i32
      %dma_wait3A_296 = tpu.memref_slice %arg10[%dma_wait3A_294, %dma_wait3A_295] : memref<10112x128xf32, #tpu.memory_space<vmem_shared>> -> memref<10112x128xf32, #tpu.memory_space<vmem_shared>>
      tpu.wait_indirect_dma semaphore(%arg14 : memref<!tpu.dma_semaphore, #tpu.memory_space<semaphore_mem>>) src(%dma_wait3A_290 : memref<128x128xf32, #tpu.memory_space<vmem>>) dst(%dma_wait3A_296 : memref<10112x128xf32, #tpu.memory_space<vmem_shared>>)
      %add3A_297 = arith.constant 3 : i32
      %add3A_298 = arith.addi %mul3A_211, %add3A_297 : i32
      %dma_start3A_299 = arith.constant 1 : i32
      %dma_start3A_300 = arith.constant 0 : i32
      %dma_start3A_301 = arith.constant 0 : i32
      %dma_start3A_302 = tpu.memref_slice %arg9[%dma_start3A_299, %dma_start3A_300, %dma_start3A_301] : memref<2x128x128xf32, #tpu.memory_space<vmem>> -> memref<1x128x128xf32, #tpu.memory_space<vmem>>
      %dma_start3A_303 = tpu.memref_squeeze %dma_start3A_302 : memref<1x128x128xf32, #tpu.memory_space<vmem>> -> memref<128x128xf32, #tpu.memory_space<vmem>>
      %dma_start3A_304 = arith.constant 0 : i32
      %dma_start3A_305 = tpu.memref_slice %arg8[%add3A_298, %dma_start3A_304] : memref<40x128xi32, #tpu.memory_space<vmem>> -> memref<1x128xi32, #tpu.memory_space<vmem>>
      %dma_start3A_306 = tpu.memref_squeeze %dma_start3A_305 : memref<1x128xi32, #tpu.memory_space<vmem>> -> memref<128xi32, #tpu.memory_space<vmem>>
      %dma_start3A_307 = arith.constant 0 : i32
      %dma_start3A_308 = arith.constant 0 : i32
      %dma_start3A_309 = tpu.memref_slice %arg2[%dma_start3A_307, %dma_start3A_308] : memref<10000x128xf32, #tpu.memory_space<hbm>> -> memref<10000x128xf32, #tpu.memory_space<hbm>>
      tpu.enqueue_indirect_dma source(%dma_start3A_309 : memref<10000x128xf32, #tpu.memory_space<hbm>>) target(%dma_start3A_303 : memref<128x128xf32, #tpu.memory_space<vmem>>) offsets(%dma_start3A_306 : memref<128xi32, #tpu.memory_space<vmem>>) semaphore(%arg12 : memref<!tpu.dma_semaphore, #tpu.memory_space<semaphore_mem>>)
    }
    %scan3A_33 = arith.constant 19 : i32
    %dma_wait3A = arith.constant 38 : i32
    %dma_wait3A_34 = arith.constant 0 : i32
    %dma_wait3A_35 = arith.constant 0 : i32
    %dma_wait3A_36 = arith.constant 0 : i32
    %dma_wait3A_37 = tpu.memref_slice %arg9[%dma_wait3A_34, %dma_wait3A_35, %dma_wait3A_36] : memref<2x128x128xf32, #tpu.memory_space<vmem>> -> memref<1x128x128xf32, #tpu.memory_space<vmem>>
    %dma_wait3A_38 = tpu.memref_squeeze %dma_wait3A_37 : memref<1x128x128xf32, #tpu.memory_space<vmem>> -> memref<128x128xf32, #tpu.memory_space<vmem>>
    %dma_wait3A_39 = arith.constant 0 : i32
    %dma_wait3A_40 = tpu.memref_slice %arg8[%dma_wait3A, %dma_wait3A_39] : memref<40x128xi32, #tpu.memory_space<vmem>> -> memref<1x128xi32, #tpu.memory_space<vmem>>
    %dma_wait3A_41 = tpu.memref_squeeze %dma_wait3A_40 : memref<1x128xi32, #tpu.memory_space<vmem>> -> memref<128xi32, #tpu.memory_space<vmem>>
    %dma_wait3A_42 = arith.constant 0 : i32
    %dma_wait3A_43 = arith.constant 0 : i32
    %dma_wait3A_44 = tpu.memref_slice %arg2[%dma_wait3A_42, %dma_wait3A_43] : memref<10000x128xf32, #tpu.memory_space<hbm>> -> memref<10000x128xf32, #tpu.memory_space<hbm>>
    tpu.wait_indirect_dma semaphore(%arg11 : memref<!tpu.dma_semaphore, #tpu.memory_space<semaphore_mem>>) src(%dma_wait3A_44 : memref<10000x128xf32, #tpu.memory_space<hbm>>) dst(%dma_wait3A_38 : memref<128x128xf32, #tpu.memory_space<vmem>>)
    %dma_start3A_45 = arith.constant 0 : i32
    %dma_start3A_46 = arith.constant 38 : i32
    %dma_start3A_47 = arith.constant 0 : i32
    %dma_start3A_48 = arith.constant 0 : i32
    %dma_start3A_49 = tpu.memref_slice %arg9[%dma_start3A_45, %dma_start3A_47, %dma_start3A_48] : memref<2x128x128xf32, #tpu.memory_space<vmem>> -> memref<1x128x128xf32, #tpu.memory_space<vmem>>
    %dma_start3A_50 = tpu.memref_squeeze %dma_start3A_49 : memref<1x128x128xf32, #tpu.memory_space<vmem>> -> memref<128x128xf32, #tpu.memory_space<vmem>>
    %dma_start3A_51 = arith.constant 0 : i32
    %dma_start3A_52 = tpu.memref_slice %arg7[%dma_start3A_46, %dma_start3A_51] : memref<40x128xi32, #tpu.memory_space<vmem>> -> memref<1x128xi32, #tpu.memory_space<vmem>>
    %dma_start3A_53 = tpu.memref_squeeze %dma_start3A_52 : memref<1x128xi32, #tpu.memory_space<vmem>> -> memref<128xi32, #tpu.memory_space<vmem>>
    %dma_start3A_54 = arith.constant 0 : i32
    %dma_start3A_55 = arith.constant 0 : i32
    %dma_start3A_56 = tpu.memref_slice %arg10[%dma_start3A_54, %dma_start3A_55] : memref<10112x128xf32, #tpu.memory_space<vmem_shared>> -> memref<10112x128xf32, #tpu.memory_space<vmem_shared>>
    tpu.enqueue_indirect_dma source(%dma_start3A_50 : memref<128x128xf32, #tpu.memory_space<vmem>>) target(%dma_start3A_56 : memref<10112x128xf32, #tpu.memory_space<vmem_shared>>) offsets(%dma_start3A_53 : memref<128xi32, #tpu.memory_space<vmem>>) semaphore(%arg13 : memref<!tpu.dma_semaphore, #tpu.memory_space<semaphore_mem>>) {add = true}
    %dma_wait3A_57 = arith.constant 39 : i32
    %dma_wait3A_58 = arith.constant 1 : i32
    %dma_wait3A_59 = arith.constant 0 : i32
    %dma_wait3A_60 = arith.constant 0 : i32
    %dma_wait3A_61 = tpu.memref_slice %arg9[%dma_wait3A_58, %dma_wait3A_59, %dma_wait3A_60] : memref<2x128x128xf32, #tpu.memory_space<vmem>> -> memref<1x128x128xf32, #tpu.memory_space<vmem>>
    %dma_wait3A_62 = tpu.memref_squeeze %dma_wait3A_61 : memref<1x128x128xf32, #tpu.memory_space<vmem>> -> memref<128x128xf32, #tpu.memory_space<vmem>>
    %dma_wait3A_63 = arith.constant 0 : i32
    %dma_wait3A_64 = tpu.memref_slice %arg8[%dma_wait3A_57, %dma_wait3A_63] : memref<40x128xi32, #tpu.memory_space<vmem>> -> memref<1x128xi32, #tpu.memory_space<vmem>>
    %dma_wait3A_65 = tpu.memref_squeeze %dma_wait3A_64 : memref<1x128xi32, #tpu.memory_space<vmem>> -> memref<128xi32, #tpu.memory_space<vmem>>
    %dma_wait3A_66 = arith.constant 0 : i32
    %dma_wait3A_67 = arith.constant 0 : i32
    %dma_wait3A_68 = tpu.memref_slice %arg2[%dma_wait3A_66, %dma_wait3A_67] : memref<10000x128xf32, #tpu.memory_space<hbm>> -> memref<10000x128xf32, #tpu.memory_space<hbm>>
    tpu.wait_indirect_dma semaphore(%arg12 : memref<!tpu.dma_semaphore, #tpu.memory_space<semaphore_mem>>) src(%dma_wait3A_68 : memref<10000x128xf32, #tpu.memory_space<hbm>>) dst(%dma_wait3A_62 : memref<128x128xf32, #tpu.memory_space<vmem>>)
    %dma_start3A_69 = arith.constant 1 : i32
    %dma_start3A_70 = arith.constant 39 : i32
    %dma_start3A_71 = arith.constant 0 : i32
    %dma_start3A_72 = arith.constant 0 : i32
    %dma_start3A_73 = tpu.memref_slice %arg9[%dma_start3A_69, %dma_start3A_71, %dma_start3A_72] : memref<2x128x128xf32, #tpu.memory_space<vmem>> -> memref<1x128x128xf32, #tpu.memory_space<vmem>>
    %dma_start3A_74 = tpu.memref_squeeze %dma_start3A_73 : memref<1x128x128xf32, #tpu.memory_space<vmem>> -> memref<128x128xf32, #tpu.memory_space<vmem>>
    %dma_start3A_75 = arith.constant 0 : i32
    %dma_start3A_76 = tpu.memref_slice %arg7[%dma_start3A_70, %dma_start3A_75] : memref<40x128xi32, #tpu.memory_space<vmem>> -> memref<1x128xi32, #tpu.memory_space<vmem>>
    %dma_start3A_77 = tpu.memref_squeeze %dma_start3A_76 : memref<1x128xi32, #tpu.memory_space<vmem>> -> memref<128xi32, #tpu.memory_space<vmem>>
    %dma_start3A_78 = arith.constant 0 : i32
    %dma_start3A_79 = arith.constant 0 : i32
    %dma_start3A_80 = tpu.memref_slice %arg10[%dma_start3A_78, %dma_start3A_79] : memref<10112x128xf32, #tpu.memory_space<vmem_shared>> -> memref<10112x128xf32, #tpu.memory_space<vmem_shared>>
    tpu.enqueue_indirect_dma source(%dma_start3A_74 : memref<128x128xf32, #tpu.memory_space<vmem>>) target(%dma_start3A_80 : memref<10112x128xf32, #tpu.memory_space<vmem_shared>>) offsets(%dma_start3A_77 : memref<128xi32, #tpu.memory_space<vmem>>) semaphore(%arg14 : memref<!tpu.dma_semaphore, #tpu.memory_space<semaphore_mem>>) {add = true}
    %dma_wait3A_81 = arith.constant 0 : i32
    %dma_wait3A_82 = arith.constant 38 : i32
    %dma_wait3A_83 = arith.constant 0 : i32
    %dma_wait3A_84 = arith.constant 0 : i32
    %dma_wait3A_85 = tpu.memref_slice %arg9[%dma_wait3A_81, %dma_wait3A_83, %dma_wait3A_84] : memref<2x128x128xf32, #tpu.memory_space<vmem>> -> memref<1x128x128xf32, #tpu.memory_space<vmem>>
    %dma_wait3A_86 = tpu.memref_squeeze %dma_wait3A_85 : memref<1x128x128xf32, #tpu.memory_space<vmem>> -> memref<128x128xf32, #tpu.memory_space<vmem>>
    %dma_wait3A_87 = arith.constant 0 : i32
    %dma_wait3A_88 = tpu.memref_slice %arg7[%dma_wait3A_82, %dma_wait3A_87] : memref<40x128xi32, #tpu.memory_space<vmem>> -> memref<1x128xi32, #tpu.memory_space<vmem>>
    %dma_wait3A_89 = tpu.memref_squeeze %dma_wait3A_88 : memref<1x128xi32, #tpu.memory_space<vmem>> -> memref<128xi32, #tpu.memory_space<vmem>>
    %dma_wait3A_90 = arith.constant 0 : i32
    %dma_wait3A_91 = arith.constant 0 : i32
    %dma_wait3A_92 = tpu.memref_slice %arg10[%dma_wait3A_90, %dma_wait3A_91] : memref<10112x128xf32, #tpu.memory_space<vmem_shared>> -> memref<10112x128xf32, #tpu.memory_space<vmem_shared>>
    tpu.wait_indirect_dma semaphore(%arg13 : memref<!tpu.dma_semaphore, #tpu.memory_space<semaphore_mem>>) src(%dma_wait3A_86 : memref<128x128xf32, #tpu.memory_space<vmem>>) dst(%dma_wait3A_92 : memref<10112x128xf32, #tpu.memory_space<vmem_shared>>)
    %dma_wait3A_93 = arith.constant 1 : i32
    %dma_wait3A_94 = arith.constant 39 : i32
    %dma_wait3A_95 = arith.constant 0 : i32
    %dma_wait3A_96 = arith.constant 0 : i32
    %dma_wait3A_97 = tpu.memref_slice %arg9[%dma_wait3A_93, %dma_wait3A_95, %dma_wait3A_96] : memref<2x128x128xf32, #tpu.memory_space<vmem>> -> memref<1x128x128xf32, #tpu.memory_space<vmem>>
    %dma_wait3A_98 = tpu.memref_squeeze %dma_wait3A_97 : memref<1x128x128xf32, #tpu.memory_space<vmem>> -> memref<128x128xf32, #tpu.memory_space<vmem>>
    %dma_wait3A_99 = arith.constant 0 : i32
    %dma_wait3A_100 = tpu.memref_slice %arg7[%dma_wait3A_94, %dma_wait3A_99] : memref<40x128xi32, #tpu.memory_space<vmem>> -> memref<1x128xi32, #tpu.memory_space<vmem>>
    %dma_wait3A_101 = tpu.memref_squeeze %dma_wait3A_100 : memref<1x128xi32, #tpu.memory_space<vmem>> -> memref<128xi32, #tpu.memory_space<vmem>>
    %dma_wait3A_102 = arith.constant 0 : i32
    %dma_wait3A_103 = arith.constant 0 : i32
    %dma_wait3A_104 = tpu.memref_slice %arg10[%dma_wait3A_102, %dma_wait3A_103] : memref<10112x128xf32, #tpu.memory_space<vmem_shared>> -> memref<10112x128xf32, #tpu.memory_space<vmem_shared>>
    tpu.wait_indirect_dma semaphore(%arg14 : memref<!tpu.dma_semaphore, #tpu.memory_space<semaphore_mem>>) src(%dma_wait3A_98 : memref<128x128xf32, #tpu.memory_space<vmem>>) dst(%dma_wait3A_104 : memref<10112x128xf32, #tpu.memory_space<vmem_shared>>)
    "tpu.region"() ({
      %run_scoped3A_209 = tpu.sem_alloc : memref<!tpu.dma_semaphore, #tpu.memory_space<semaphore_mem>>
      %dma_start3A_210 = arith.constant 0 : i32
      %dma_start3A_211 = arith.constant 0 : i32
      %dma_start3A_212 = tpu.memref_slice %arg3[%add3A, %dma_start3A_210, %dma_start3A_211] : memref<32x80x128xi32, #tpu.memory_space<hbm>> -> memref<1x80x128xi32, #tpu.memory_space<hbm>>
      %dma_start3A_213 = tpu.memref_squeeze %dma_start3A_212 : memref<1x80x128xi32, #tpu.memory_space<hbm>> -> memref<80x128xi32, #tpu.memory_space<hbm>>
      %dma_start3A_214 = arith.constant 40 : i32
      %dma_start3A_215 = arith.constant 0 : i32
      %dma_start3A_216 = tpu.memref_slice %dma_start3A_213[%dma_start3A_214, %dma_start3A_215] : memref<80x128xi32, #tpu.memory_space<hbm>> -> memref<40x128xi32, #tpu.memory_space<hbm>>
      %dma_start3A_217 = arith.constant 0 : i32
      %dma_start3A_218 = arith.constant 0 : i32
      %dma_start3A_219 = tpu.memref_slice %arg3[%add3A, %dma_start3A_217, %dma_start3A_218] : memref<32x80x128xi32, #tpu.memory_space<hbm>> -> memref<1x80x128xi32, #tpu.memory_space<hbm>>
      %dma_start3A_220 = tpu.memref_squeeze %dma_start3A_219 : memref<1x80x128xi32, #tpu.memory_space<hbm>> -> memref<80x128xi32, #tpu.memory_space<hbm>>
      %dma_start3A_221 = arith.constant 40 : i32
      %dma_start3A_222 = arith.constant 0 : i32
      %dma_start3A_223 = tpu.memref_slice %dma_start3A_220[%dma_start3A_221, %dma_start3A_222] : memref<80x128xi32, #tpu.memory_space<hbm>> -> memref<40x128xi32, #tpu.memory_space<hbm>>
      tpu.enqueue_dma source(%dma_start3A_223 : memref<40x128xi32, #tpu.memory_space<hbm>>) target(%arg7 : memref<40x128xi32, #tpu.memory_space<vmem>>) target_semaphore(%run_scoped3A_209 : memref<!tpu.dma_semaphore, #tpu.memory_space<semaphore_mem>>)
      %dma_wait3A_224 = arith.constant 0 : i32
      %dma_wait3A_225 = arith.constant 0 : i32
      %dma_wait3A_226 = tpu.memref_slice %arg3[%add3A, %dma_wait3A_224, %dma_wait3A_225] : memref<32x80x128xi32, #tpu.memory_space<hbm>> -> memref<1x80x128xi32, #tpu.memory_space<hbm>>
      %dma_wait3A_227 = tpu.memref_squeeze %dma_wait3A_226 : memref<1x80x128xi32, #tpu.memory_space<hbm>> -> memref<80x128xi32, #tpu.memory_space<hbm>>
      %dma_wait3A_228 = arith.constant 40 : i32
      %dma_wait3A_229 = arith.constant 0 : i32
      %dma_wait3A_230 = tpu.memref_slice %dma_wait3A_227[%dma_wait3A_228, %dma_wait3A_229] : memref<80x128xi32, #tpu.memory_space<hbm>> -> memref<40x128xi32, #tpu.memory_space<hbm>>
      %dma_wait3A_231 = arith.constant 0 : i32
      %dma_wait3A_232 = arith.constant 0 : i32
      %dma_wait3A_233 = tpu.memref_slice %arg3[%add3A, %dma_wait3A_231, %dma_wait3A_232] : memref<32x80x128xi32, #tpu.memory_space<hbm>> -> memref<1x80x128xi32, #tpu.memory_space<hbm>>
      %dma_wait3A_234 = tpu.memref_squeeze %dma_wait3A_233 : memref<1x80x128xi32, #tpu.memory_space<hbm>> -> memref<80x128xi32, #tpu.memory_space<hbm>>
      %dma_wait3A_235 = arith.constant 40 : i32
      %dma_wait3A_236 = arith.constant 0 : i32
      %dma_wait3A_237 = tpu.memref_slice %dma_wait3A_234[%dma_wait3A_235, %dma_wait3A_236] : memref<80x128xi32, #tpu.memory_space<hbm>> -> memref<40x128xi32, #tpu.memory_space<hbm>>
      tpu.wait_dma2 semaphore(%run_scoped3A_209 : memref<!tpu.dma_semaphore, #tpu.memory_space<semaphore_mem>>) src(%dma_wait3A_237 : memref<40x128xi32, #tpu.memory_space<hbm>>) dst(%arg7 : memref<40x128xi32, #tpu.memory_space<vmem>>)
      tpu.yield
    }) : () -> ()
    "tpu.region"() ({
      %run_scoped3A_209 = tpu.sem_alloc : memref<!tpu.dma_semaphore, #tpu.memory_space<semaphore_mem>>
      %dma_start3A_210 = arith.constant 0 : i32
      %dma_start3A_211 = arith.constant 0 : i32
      %dma_start3A_212 = tpu.memref_slice %arg4[%add3A, %dma_start3A_210, %dma_start3A_211] : memref<32x80x128xi32, #tpu.memory_space<hbm>> -> memref<1x80x128xi32, #tpu.memory_space<hbm>>
      %dma_start3A_213 = tpu.memref_squeeze %dma_start3A_212 : memref<1x80x128xi32, #tpu.memory_space<hbm>> -> memref<80x128xi32, #tpu.memory_space<hbm>>
      %dma_start3A_214 = arith.constant 40 : i32
      %dma_start3A_215 = arith.constant 0 : i32
      %dma_start3A_216 = tpu.memref_slice %dma_start3A_213[%dma_start3A_214, %dma_start3A_215] : memref<80x128xi32, #tpu.memory_space<hbm>> -> memref<40x128xi32, #tpu.memory_space<hbm>>
      %dma_start3A_217 = arith.constant 0 : i32
      %dma_start3A_218 = arith.constant 0 : i32
      %dma_start3A_219 = tpu.memref_slice %arg4[%add3A, %dma_start3A_217, %dma_start3A_218] : memref<32x80x128xi32, #tpu.memory_space<hbm>> -> memref<1x80x128xi32, #tpu.memory_space<hbm>>
      %dma_start3A_220 = tpu.memref_squeeze %dma_start3A_219 : memref<1x80x128xi32, #tpu.memory_space<hbm>> -> memref<80x128xi32, #tpu.memory_space<hbm>>
      %dma_start3A_221 = arith.constant 40 : i32
      %dma_start3A_222 = arith.constant 0 : i32
      %dma_start3A_223 = tpu.memref_slice %dma_start3A_220[%dma_start3A_221, %dma_start3A_222] : memref<80x128xi32, #tpu.memory_space<hbm>> -> memref<40x128xi32, #tpu.memory_space<hbm>>
      tpu.enqueue_dma source(%dma_start3A_223 : memref<40x128xi32, #tpu.memory_space<hbm>>) target(%arg8 : memref<40x128xi32, #tpu.memory_space<vmem>>) target_semaphore(%run_scoped3A_209 : memref<!tpu.dma_semaphore, #tpu.memory_space<semaphore_mem>>)
      %dma_wait3A_224 = arith.constant 0 : i32
      %dma_wait3A_225 = arith.constant 0 : i32
      %dma_wait3A_226 = tpu.memref_slice %arg4[%add3A, %dma_wait3A_224, %dma_wait3A_225] : memref<32x80x128xi32, #tpu.memory_space<hbm>> -> memref<1x80x128xi32, #tpu.memory_space<hbm>>
      %dma_wait3A_227 = tpu.memref_squeeze %dma_wait3A_226 : memref<1x80x128xi32, #tpu.memory_space<hbm>> -> memref<80x128xi32, #tpu.memory_space<hbm>>
      %dma_wait3A_228 = arith.constant 40 : i32
      %dma_wait3A_229 = arith.constant 0 : i32
      %dma_wait3A_230 = tpu.memref_slice %dma_wait3A_227[%dma_wait3A_228, %dma_wait3A_229] : memref<80x128xi32, #tpu.memory_space<hbm>> -> memref<40x128xi32, #tpu.memory_space<hbm>>
      %dma_wait3A_231 = arith.constant 0 : i32
      %dma_wait3A_232 = arith.constant 0 : i32
      %dma_wait3A_233 = tpu.memref_slice %arg4[%add3A, %dma_wait3A_231, %dma_wait3A_232] : memref<32x80x128xi32, #tpu.memory_space<hbm>> -> memref<1x80x128xi32, #tpu.memory_space<hbm>>
      %dma_wait3A_234 = tpu.memref_squeeze %dma_wait3A_233 : memref<1x80x128xi32, #tpu.memory_space<hbm>> -> memref<80x128xi32, #tpu.memory_space<hbm>>
      %dma_wait3A_235 = arith.constant 40 : i32
      %dma_wait3A_236 = arith.constant 0 : i32
      %dma_wait3A_237 = tpu.memref_slice %dma_wait3A_234[%dma_wait3A_235, %dma_wait3A_236] : memref<80x128xi32, #tpu.memory_space<hbm>> -> memref<40x128xi32, #tpu.memory_space<hbm>>
      tpu.wait_dma2 semaphore(%run_scoped3A_209 : memref<!tpu.dma_semaphore, #tpu.memory_space<semaphore_mem>>) src(%dma_wait3A_237 : memref<40x128xi32, #tpu.memory_space<hbm>>) dst(%arg8 : memref<40x128xi32, #tpu.memory_space<vmem>>)
      tpu.yield
    }) : () -> ()
    %dma_start3A_105 = arith.constant 0 : i32
    %dma_start3A_106 = arith.constant 0 : i32
    %dma_start3A_107 = arith.constant 0 : i32
    %dma_start3A_108 = arith.constant 0 : i32
    %dma_start3A_109 = tpu.memref_slice %arg9[%dma_start3A_106, %dma_start3A_107, %dma_start3A_108] : memref<2x128x128xf32, #tpu.memory_space<vmem>> -> memref<1x128x128xf32, #tpu.memory_space<vmem>>
    %dma_start3A_110 = tpu.memref_squeeze %dma_start3A_109 : memref<1x128x128xf32, #tpu.memory_space<vmem>> -> memref<128x128xf32, #tpu.memory_space<vmem>>
    %dma_start3A_111 = arith.constant 0 : i32
    %dma_start3A_112 = tpu.memref_slice %arg8[%dma_start3A_105, %dma_start3A_111] : memref<40x128xi32, #tpu.memory_space<vmem>> -> memref<1x128xi32, #tpu.memory_space<vmem>>
    %dma_start3A_113 = tpu.memref_squeeze %dma_start3A_112 : memref<1x128xi32, #tpu.memory_space<vmem>> -> memref<128xi32, #tpu.memory_space<vmem>>
    %dma_start3A_114 = arith.constant 0 : i32
    %dma_start3A_115 = arith.constant 0 : i32
    %dma_start3A_116 = tpu.memref_slice %arg2[%dma_start3A_114, %dma_start3A_115] : memref<10000x128xf32, #tpu.memory_space<hbm>> -> memref<10000x128xf32, #tpu.memory_space<hbm>>
    tpu.enqueue_indirect_dma source(%dma_start3A_116 : memref<10000x128xf32, #tpu.memory_space<hbm>>) target(%dma_start3A_110 : memref<128x128xf32, #tpu.memory_space<vmem>>) offsets(%dma_start3A_113 : memref<128xi32, #tpu.memory_space<vmem>>) semaphore(%arg11 : memref<!tpu.dma_semaphore, #tpu.memory_space<semaphore_mem>>)
    %dma_start3A_117 = arith.constant 1 : i32
    %dma_start3A_118 = arith.constant 1 : i32
    %dma_start3A_119 = arith.constant 0 : i32
    %dma_start3A_120 = arith.constant 0 : i32
    %dma_start3A_121 = tpu.memref_slice %arg9[%dma_start3A_118, %dma_start3A_119, %dma_start3A_120] : memref<2x128x128xf32, #tpu.memory_space<vmem>> -> memref<1x128x128xf32, #tpu.memory_space<vmem>>
    %dma_start3A_122 = tpu.memref_squeeze %dma_start3A_121 : memref<1x128x128xf32, #tpu.memory_space<vmem>> -> memref<128x128xf32, #tpu.memory_space<vmem>>
    %dma_start3A_123 = arith.constant 0 : i32
    %dma_start3A_124 = tpu.memref_slice %arg8[%dma_start3A_117, %dma_start3A_123] : memref<40x128xi32, #tpu.memory_space<vmem>> -> memref<1x128xi32, #tpu.memory_space<vmem>>
    %dma_start3A_125 = tpu.memref_squeeze %dma_start3A_124 : memref<1x128xi32, #tpu.memory_space<vmem>> -> memref<128xi32, #tpu.memory_space<vmem>>
    %dma_start3A_126 = arith.constant 0 : i32
    %dma_start3A_127 = arith.constant 0 : i32
    %dma_start3A_128 = tpu.memref_slice %arg2[%dma_start3A_126, %dma_start3A_127] : memref<10000x128xf32, #tpu.memory_space<hbm>> -> memref<10000x128xf32, #tpu.memory_space<hbm>>
    tpu.enqueue_indirect_dma source(%dma_start3A_128 : memref<10000x128xf32, #tpu.memory_space<hbm>>) target(%dma_start3A_122 : memref<128x128xf32, #tpu.memory_space<vmem>>) offsets(%dma_start3A_125 : memref<128xi32, #tpu.memory_space<vmem>>) semaphore(%arg12 : memref<!tpu.dma_semaphore, #tpu.memory_space<semaphore_mem>>)
    %scan3A_129 = arith.constant 0 : i32
    %scan3A_130 = arith.constant 0 : i32
    %scan3A_131 = arith.constant 19 : i32
    %scan3A_132 = arith.addi %scan3A_130, %scan3A_131 : i32
    %scan3A_133 = arith.constant 1 : i32
    scf.for %scan3A_209 = %scan3A_130 to %scan3A_132 step %scan3A_133  : i32 {
      %mul3A_210 = arith.constant 2 : i32
      %mul3A_211 = arith.muli %scan3A_209, %mul3A_210 : i32
      %dma_wait3A_212 = arith.constant 0 : i32
      %dma_wait3A_213 = arith.constant 0 : i32
      %dma_wait3A_214 = arith.constant 0 : i32
      %dma_wait3A_215 = tpu.memref_slice %arg9[%dma_wait3A_212, %dma_wait3A_213, %dma_wait3A_214] : memref<2x128x128xf32, #tpu.memory_space<vmem>> -> memref<1x128x128xf32, #tpu.memory_space<vmem>>
      %dma_wait3A_216 = tpu.memref_squeeze %dma_wait3A_215 : memref<1x128x128xf32, #tpu.memory_space<vmem>> -> memref<128x128xf32, #tpu.memory_space<vmem>>
      %dma_wait3A_217 = arith.constant 0 : i32
      %dma_wait3A_218 = tpu.memref_slice %arg8[%mul3A_211, %dma_wait3A_217] : memref<40x128xi32, #tpu.memory_space<vmem>> -> memref<1x128xi32, #tpu.memory_space<vmem>>
      %dma_wait3A_219 = tpu.memref_squeeze %dma_wait3A_218 : memref<1x128xi32, #tpu.memory_space<vmem>> -> memref<128xi32, #tpu.memory_space<vmem>>
      %dma_wait3A_220 = arith.constant 0 : i32
      %dma_wait3A_221 = arith.constant 0 : i32
      %dma_wait3A_222 = tpu.memref_slice %arg2[%dma_wait3A_220, %dma_wait3A_221] : memref<10000x128xf32, #tpu.memory_space<hbm>> -> memref<10000x128xf32, #tpu.memory_space<hbm>>
      tpu.wait_indirect_dma semaphore(%arg11 : memref<!tpu.dma_semaphore, #tpu.memory_space<semaphore_mem>>) src(%dma_wait3A_222 : memref<10000x128xf32, #tpu.memory_space<hbm>>) dst(%dma_wait3A_216 : memref<128x128xf32, #tpu.memory_space<vmem>>)
      %dma_start3A_223 = arith.constant 0 : i32
      %dma_start3A_224 = arith.constant 0 : i32
      %dma_start3A_225 = arith.constant 0 : i32
      %dma_start3A_226 = tpu.memref_slice %arg9[%dma_start3A_223, %dma_start3A_224, %dma_start3A_225] : memref<2x128x128xf32, #tpu.memory_space<vmem>> -> memref<1x128x128xf32, #tpu.memory_space<vmem>>
      %dma_start3A_227 = tpu.memref_squeeze %dma_start3A_226 : memref<1x128x128xf32, #tpu.memory_space<vmem>> -> memref<128x128xf32, #tpu.memory_space<vmem>>
      %dma_start3A_228 = arith.constant 0 : i32
      %dma_start3A_229 = tpu.memref_slice %arg7[%mul3A_211, %dma_start3A_228] : memref<40x128xi32, #tpu.memory_space<vmem>> -> memref<1x128xi32, #tpu.memory_space<vmem>>
      %dma_start3A_230 = tpu.memref_squeeze %dma_start3A_229 : memref<1x128xi32, #tpu.memory_space<vmem>> -> memref<128xi32, #tpu.memory_space<vmem>>
      %dma_start3A_231 = arith.constant 0 : i32
      %dma_start3A_232 = arith.constant 0 : i32
      %dma_start3A_233 = tpu.memref_slice %arg10[%dma_start3A_231, %dma_start3A_232] : memref<10112x128xf32, #tpu.memory_space<vmem_shared>> -> memref<10112x128xf32, #tpu.memory_space<vmem_shared>>
      tpu.enqueue_indirect_dma source(%dma_start3A_227 : memref<128x128xf32, #tpu.memory_space<vmem>>) target(%dma_start3A_233 : memref<10112x128xf32, #tpu.memory_space<vmem_shared>>) offsets(%dma_start3A_230 : memref<128xi32, #tpu.memory_space<vmem>>) semaphore(%arg13 : memref<!tpu.dma_semaphore, #tpu.memory_space<semaphore_mem>>) {add = true}
      %add3A_234 = arith.constant 1 : i32
      %add3A_235 = arith.addi %mul3A_211, %add3A_234 : i32
      %dma_wait3A_236 = arith.constant 1 : i32
      %dma_wait3A_237 = arith.constant 0 : i32
      %dma_wait3A_238 = arith.constant 0 : i32
      %dma_wait3A_239 = tpu.memref_slice %arg9[%dma_wait3A_236, %dma_wait3A_237, %dma_wait3A_238] : memref<2x128x128xf32, #tpu.memory_space<vmem>> -> memref<1x128x128xf32, #tpu.memory_space<vmem>>
      %dma_wait3A_240 = tpu.memref_squeeze %dma_wait3A_239 : memref<1x128x128xf32, #tpu.memory_space<vmem>> -> memref<128x128xf32, #tpu.memory_space<vmem>>
      %dma_wait3A_241 = arith.constant 0 : i32
      %dma_wait3A_242 = tpu.memref_slice %arg8[%add3A_235, %dma_wait3A_241] : memref<40x128xi32, #tpu.memory_space<vmem>> -> memref<1x128xi32, #tpu.memory_space<vmem>>
      %dma_wait3A_243 = tpu.memref_squeeze %dma_wait3A_242 : memref<1x128xi32, #tpu.memory_space<vmem>> -> memref<128xi32, #tpu.memory_space<vmem>>
      %dma_wait3A_244 = arith.constant 0 : i32
      %dma_wait3A_245 = arith.constant 0 : i32
      %dma_wait3A_246 = tpu.memref_slice %arg2[%dma_wait3A_244, %dma_wait3A_245] : memref<10000x128xf32, #tpu.memory_space<hbm>> -> memref<10000x128xf32, #tpu.memory_space<hbm>>
      tpu.wait_indirect_dma semaphore(%arg12 : memref<!tpu.dma_semaphore, #tpu.memory_space<semaphore_mem>>) src(%dma_wait3A_246 : memref<10000x128xf32, #tpu.memory_space<hbm>>) dst(%dma_wait3A_240 : memref<128x128xf32, #tpu.memory_space<vmem>>)
      %add3A_247 = arith.constant 1 : i32
      %add3A_248 = arith.addi %mul3A_211, %add3A_247 : i32
      %dma_start3A_249 = arith.constant 1 : i32
      %dma_start3A_250 = arith.constant 0 : i32
      %dma_start3A_251 = arith.constant 0 : i32
      %dma_start3A_252 = tpu.memref_slice %arg9[%dma_start3A_249, %dma_start3A_250, %dma_start3A_251] : memref<2x128x128xf32, #tpu.memory_space<vmem>> -> memref<1x128x128xf32, #tpu.memory_space<vmem>>
      %dma_start3A_253 = tpu.memref_squeeze %dma_start3A_252 : memref<1x128x128xf32, #tpu.memory_space<vmem>> -> memref<128x128xf32, #tpu.memory_space<vmem>>
      %dma_start3A_254 = arith.constant 0 : i32
      %dma_start3A_255 = tpu.memref_slice %arg7[%add3A_248, %dma_start3A_254] : memref<40x128xi32, #tpu.memory_space<vmem>> -> memref<1x128xi32, #tpu.memory_space<vmem>>
      %dma_start3A_256 = tpu.memref_squeeze %dma_start3A_255 : memref<1x128xi32, #tpu.memory_space<vmem>> -> memref<128xi32, #tpu.memory_space<vmem>>
      %dma_start3A_257 = arith.constant 0 : i32
      %dma_start3A_258 = arith.constant 0 : i32
      %dma_start3A_259 = tpu.memref_slice %arg10[%dma_start3A_257, %dma_start3A_258] : memref<10112x128xf32, #tpu.memory_space<vmem_shared>> -> memref<10112x128xf32, #tpu.memory_space<vmem_shared>>
      tpu.enqueue_indirect_dma source(%dma_start3A_253 : memref<128x128xf32, #tpu.memory_space<vmem>>) target(%dma_start3A_259 : memref<10112x128xf32, #tpu.memory_space<vmem_shared>>) offsets(%dma_start3A_256 : memref<128xi32, #tpu.memory_space<vmem>>) semaphore(%arg14 : memref<!tpu.dma_semaphore, #tpu.memory_space<semaphore_mem>>) {add = true}
      %dma_wait3A_260 = arith.constant 0 : i32
      %dma_wait3A_261 = arith.constant 0 : i32
      %dma_wait3A_262 = arith.constant 0 : i32
      %dma_wait3A_263 = tpu.memref_slice %arg9[%dma_wait3A_260, %dma_wait3A_261, %dma_wait3A_262] : memref<2x128x128xf32, #tpu.memory_space<vmem>> -> memref<1x128x128xf32, #tpu.memory_space<vmem>>
      %dma_wait3A_264 = tpu.memref_squeeze %dma_wait3A_263 : memref<1x128x128xf32, #tpu.memory_space<vmem>> -> memref<128x128xf32, #tpu.memory_space<vmem>>
      %dma_wait3A_265 = arith.constant 0 : i32
      %dma_wait3A_266 = tpu.memref_slice %arg7[%mul3A_211, %dma_wait3A_265] : memref<40x128xi32, #tpu.memory_space<vmem>> -> memref<1x128xi32, #tpu.memory_space<vmem>>
      %dma_wait3A_267 = tpu.memref_squeeze %dma_wait3A_266 : memref<1x128xi32, #tpu.memory_space<vmem>> -> memref<128xi32, #tpu.memory_space<vmem>>
      %dma_wait3A_268 = arith.constant 0 : i32
      %dma_wait3A_269 = arith.constant 0 : i32
      %dma_wait3A_270 = tpu.memref_slice %arg10[%dma_wait3A_268, %dma_wait3A_269] : memref<10112x128xf32, #tpu.memory_space<vmem_shared>> -> memref<10112x128xf32, #tpu.memory_space<vmem_shared>>
      tpu.wait_indirect_dma semaphore(%arg13 : memref<!tpu.dma_semaphore, #tpu.memory_space<semaphore_mem>>) src(%dma_wait3A_264 : memref<128x128xf32, #tpu.memory_space<vmem>>) dst(%dma_wait3A_270 : memref<10112x128xf32, #tpu.memory_space<vmem_shared>>)
      %add3A_271 = arith.constant 2 : i32
      %add3A_272 = arith.addi %mul3A_211, %add3A_271 : i32
      %dma_start3A_273 = arith.constant 0 : i32
      %dma_start3A_274 = arith.constant 0 : i32
      %dma_start3A_275 = arith.constant 0 : i32
      %dma_start3A_276 = tpu.memref_slice %arg9[%dma_start3A_273, %dma_start3A_274, %dma_start3A_275] : memref<2x128x128xf32, #tpu.memory_space<vmem>> -> memref<1x128x128xf32, #tpu.memory_space<vmem>>
      %dma_start3A_277 = tpu.memref_squeeze %dma_start3A_276 : memref<1x128x128xf32, #tpu.memory_space<vmem>> -> memref<128x128xf32, #tpu.memory_space<vmem>>
      %dma_start3A_278 = arith.constant 0 : i32
      %dma_start3A_279 = tpu.memref_slice %arg8[%add3A_272, %dma_start3A_278] : memref<40x128xi32, #tpu.memory_space<vmem>> -> memref<1x128xi32, #tpu.memory_space<vmem>>
      %dma_start3A_280 = tpu.memref_squeeze %dma_start3A_279 : memref<1x128xi32, #tpu.memory_space<vmem>> -> memref<128xi32, #tpu.memory_space<vmem>>
      %dma_start3A_281 = arith.constant 0 : i32
      %dma_start3A_282 = arith.constant 0 : i32
      %dma_start3A_283 = tpu.memref_slice %arg2[%dma_start3A_281, %dma_start3A_282] : memref<10000x128xf32, #tpu.memory_space<hbm>> -> memref<10000x128xf32, #tpu.memory_space<hbm>>
      tpu.enqueue_indirect_dma source(%dma_start3A_283 : memref<10000x128xf32, #tpu.memory_space<hbm>>) target(%dma_start3A_277 : memref<128x128xf32, #tpu.memory_space<vmem>>) offsets(%dma_start3A_280 : memref<128xi32, #tpu.memory_space<vmem>>) semaphore(%arg11 : memref<!tpu.dma_semaphore, #tpu.memory_space<semaphore_mem>>)
      %add3A_284 = arith.constant 1 : i32
      %add3A_285 = arith.addi %mul3A_211, %add3A_284 : i32
      %dma_wait3A_286 = arith.constant 1 : i32
      %dma_wait3A_287 = arith.constant 0 : i32
      %dma_wait3A_288 = arith.constant 0 : i32
      %dma_wait3A_289 = tpu.memref_slice %arg9[%dma_wait3A_286, %dma_wait3A_287, %dma_wait3A_288] : memref<2x128x128xf32, #tpu.memory_space<vmem>> -> memref<1x128x128xf32, #tpu.memory_space<vmem>>
      %dma_wait3A_290 = tpu.memref_squeeze %dma_wait3A_289 : memref<1x128x128xf32, #tpu.memory_space<vmem>> -> memref<128x128xf32, #tpu.memory_space<vmem>>
      %dma_wait3A_291 = arith.constant 0 : i32
      %dma_wait3A_292 = tpu.memref_slice %arg7[%add3A_285, %dma_wait3A_291] : memref<40x128xi32, #tpu.memory_space<vmem>> -> memref<1x128xi32, #tpu.memory_space<vmem>>
      %dma_wait3A_293 = tpu.memref_squeeze %dma_wait3A_292 : memref<1x128xi32, #tpu.memory_space<vmem>> -> memref<128xi32, #tpu.memory_space<vmem>>
      %dma_wait3A_294 = arith.constant 0 : i32
      %dma_wait3A_295 = arith.constant 0 : i32
      %dma_wait3A_296 = tpu.memref_slice %arg10[%dma_wait3A_294, %dma_wait3A_295] : memref<10112x128xf32, #tpu.memory_space<vmem_shared>> -> memref<10112x128xf32, #tpu.memory_space<vmem_shared>>
      tpu.wait_indirect_dma semaphore(%arg14 : memref<!tpu.dma_semaphore, #tpu.memory_space<semaphore_mem>>) src(%dma_wait3A_290 : memref<128x128xf32, #tpu.memory_space<vmem>>) dst(%dma_wait3A_296 : memref<10112x128xf32, #tpu.memory_space<vmem_shared>>)
      %add3A_297 = arith.constant 3 : i32
      %add3A_298 = arith.addi %mul3A_211, %add3A_297 : i32
      %dma_start3A_299 = arith.constant 1 : i32
      %dma_start3A_300 = arith.constant 0 : i32
      %dma_start3A_301 = arith.constant 0 : i32
      %dma_start3A_302 = tpu.memref_slice %arg9[%dma_start3A_299, %dma_start3A_300, %dma_start3A_301] : memref<2x128x128xf32, #tpu.memory_space<vmem>> -> memref<1x128x128xf32, #tpu.memory_space<vmem>>
      %dma_start3A_303 = tpu.memref_squeeze %dma_start3A_302 : memref<1x128x128xf32, #tpu.memory_space<vmem>> -> memref<128x128xf32, #tpu.memory_space<vmem>>
      %dma_start3A_304 = arith.constant 0 : i32
      %dma_start3A_305 = tpu.memref_slice %arg8[%add3A_298, %dma_start3A_304] : memref<40x128xi32, #tpu.memory_space<vmem>> -> memref<1x128xi32, #tpu.memory_space<vmem>>
      %dma_start3A_306 = tpu.memref_squeeze %dma_start3A_305 : memref<1x128xi32, #tpu.memory_space<vmem>> -> memref<128xi32, #tpu.memory_space<vmem>>
      %dma_start3A_307 = arith.constant 0 : i32
      %dma_start3A_308 = arith.constant 0 : i32
      %dma_start3A_309 = tpu.memref_slice %arg2[%dma_start3A_307, %dma_start3A_308] : memref<10000x128xf32, #tpu.memory_space<hbm>> -> memref<10000x128xf32, #tpu.memory_space<hbm>>
      tpu.enqueue_indirect_dma source(%dma_start3A_309 : memref<10000x128xf32, #tpu.memory_space<hbm>>) target(%dma_start3A_303 : memref<128x128xf32, #tpu.memory_space<vmem>>) offsets(%dma_start3A_306 : memref<128xi32, #tpu.memory_space<vmem>>) semaphore(%arg12 : memref<!tpu.dma_semaphore, #tpu.memory_space<semaphore_mem>>)
    }
    %scan3A_134 = arith.constant 19 : i32
    %dma_wait3A_135 = arith.constant 38 : i32
    %dma_wait3A_136 = arith.constant 0 : i32
    %dma_wait3A_137 = arith.constant 0 : i32
    %dma_wait3A_138 = arith.constant 0 : i32
    %dma_wait3A_139 = tpu.memref_slice %arg9[%dma_wait3A_136, %dma_wait3A_137, %dma_wait3A_138] : memref<2x128x128xf32, #tpu.memory_space<vmem>> -> memref<1x128x128xf32, #tpu.memory_space<vmem>>
    %dma_wait3A_140 = tpu.memref_squeeze %dma_wait3A_139 : memref<1x128x128xf32, #tpu.memory_space<vmem>> -> memref<128x128xf32, #tpu.memory_space<vmem>>
    %dma_wait3A_141 = arith.constant 0 : i32
    %dma_wait3A_142 = tpu.memref_slice %arg8[%dma_wait3A_135, %dma_wait3A_141] : memref<40x128xi32, #tpu.memory_space<vmem>> -> memref<1x128xi32, #tpu.memory_space<vmem>>
    %dma_wait3A_143 = tpu.memref_squeeze %dma_wait3A_142 : memref<1x128xi32, #tpu.memory_space<vmem>> -> memref<128xi32, #tpu.memory_space<vmem>>
    %dma_wait3A_144 = arith.constant 0 : i32
    %dma_wait3A_145 = arith.constant 0 : i32
    %dma_wait3A_146 = tpu.memref_slice %arg2[%dma_wait3A_144, %dma_wait3A_145] : memref<10000x128xf32, #tpu.memory_space<hbm>> -> memref<10000x128xf32, #tpu.memory_space<hbm>>
    tpu.wait_indirect_dma semaphore(%arg11 : memref<!tpu.dma_semaphore, #tpu.memory_space<semaphore_mem>>) src(%dma_wait3A_146 : memref<10000x128xf32, #tpu.memory_space<hbm>>) dst(%dma_wait3A_140 : memref<128x128xf32, #tpu.memory_space<vmem>>)
    %dma_start3A_147 = arith.constant 0 : i32
    %dma_start3A_148 = arith.constant 38 : i32
    %dma_start3A_149 = arith.constant 0 : i32
    %dma_start3A_150 = arith.constant 0 : i32
    %dma_start3A_151 = tpu.memref_slice %arg9[%dma_start3A_147, %dma_start3A_149, %dma_start3A_150] : memref<2x128x128xf32, #tpu.memory_space<vmem>> -> memref<1x128x128xf32, #tpu.memory_space<vmem>>
    %dma_start3A_152 = tpu.memref_squeeze %dma_start3A_151 : memref<1x128x128xf32, #tpu.memory_space<vmem>> -> memref<128x128xf32, #tpu.memory_space<vmem>>
    %dma_start3A_153 = arith.constant 0 : i32
    %dma_start3A_154 = tpu.memref_slice %arg7[%dma_start3A_148, %dma_start3A_153] : memref<40x128xi32, #tpu.memory_space<vmem>> -> memref<1x128xi32, #tpu.memory_space<vmem>>
    %dma_start3A_155 = tpu.memref_squeeze %dma_start3A_154 : memref<1x128xi32, #tpu.memory_space<vmem>> -> memref<128xi32, #tpu.memory_space<vmem>>
    %dma_start3A_156 = arith.constant 0 : i32
    %dma_start3A_157 = arith.constant 0 : i32
    %dma_start3A_158 = tpu.memref_slice %arg10[%dma_start3A_156, %dma_start3A_157] : memref<10112x128xf32, #tpu.memory_space<vmem_shared>> -> memref<10112x128xf32, #tpu.memory_space<vmem_shared>>
    tpu.enqueue_indirect_dma source(%dma_start3A_152 : memref<128x128xf32, #tpu.memory_space<vmem>>) target(%dma_start3A_158 : memref<10112x128xf32, #tpu.memory_space<vmem_shared>>) offsets(%dma_start3A_155 : memref<128xi32, #tpu.memory_space<vmem>>) semaphore(%arg13 : memref<!tpu.dma_semaphore, #tpu.memory_space<semaphore_mem>>) {add = true}
    %dma_wait3A_159 = arith.constant 39 : i32
    %dma_wait3A_160 = arith.constant 1 : i32
    %dma_wait3A_161 = arith.constant 0 : i32
    %dma_wait3A_162 = arith.constant 0 : i32
    %dma_wait3A_163 = tpu.memref_slice %arg9[%dma_wait3A_160, %dma_wait3A_161, %dma_wait3A_162] : memref<2x128x128xf32, #tpu.memory_space<vmem>> -> memref<1x128x128xf32, #tpu.memory_space<vmem>>
    %dma_wait3A_164 = tpu.memref_squeeze %dma_wait3A_163 : memref<1x128x128xf32, #tpu.memory_space<vmem>> -> memref<128x128xf32, #tpu.memory_space<vmem>>
    %dma_wait3A_165 = arith.constant 0 : i32
    %dma_wait3A_166 = tpu.memref_slice %arg8[%dma_wait3A_159, %dma_wait3A_165] : memref<40x128xi32, #tpu.memory_space<vmem>> -> memref<1x128xi32, #tpu.memory_space<vmem>>
    %dma_wait3A_167 = tpu.memref_squeeze %dma_wait3A_166 : memref<1x128xi32, #tpu.memory_space<vmem>> -> memref<128xi32, #tpu.memory_space<vmem>>
    %dma_wait3A_168 = arith.constant 0 : i32
    %dma_wait3A_169 = arith.constant 0 : i32
    %dma_wait3A_170 = tpu.memref_slice %arg2[%dma_wait3A_168, %dma_wait3A_169] : memref<10000x128xf32, #tpu.memory_space<hbm>> -> memref<10000x128xf32, #tpu.memory_space<hbm>>
    tpu.wait_indirect_dma semaphore(%arg12 : memref<!tpu.dma_semaphore, #tpu.memory_space<semaphore_mem>>) src(%dma_wait3A_170 : memref<10000x128xf32, #tpu.memory_space<hbm>>) dst(%dma_wait3A_164 : memref<128x128xf32, #tpu.memory_space<vmem>>)
    %dma_start3A_171 = arith.constant 1 : i32
    %dma_start3A_172 = arith.constant 39 : i32
    %dma_start3A_173 = arith.constant 0 : i32
    %dma_start3A_174 = arith.constant 0 : i32
    %dma_start3A_175 = tpu.memref_slice %arg9[%dma_start3A_171, %dma_start3A_173, %dma_start3A_174] : memref<2x128x128xf32, #tpu.memory_space<vmem>> -> memref<1x128x128xf32, #tpu.memory_space<vmem>>
    %dma_start3A_176 = tpu.memref_squeeze %dma_start3A_175 : memref<1x128x128xf32, #tpu.memory_space<vmem>> -> memref<128x128xf32, #tpu.memory_space<vmem>>
    %dma_start3A_177 = arith.constant 0 : i32
    %dma_start3A_178 = tpu.memref_slice %arg7[%dma_start3A_172, %dma_start3A_177] : memref<40x128xi32, #tpu.memory_space<vmem>> -> memref<1x128xi32, #tpu.memory_space<vmem>>
    %dma_start3A_179 = tpu.memref_squeeze %dma_start3A_178 : memref<1x128xi32, #tpu.memory_space<vmem>> -> memref<128xi32, #tpu.memory_space<vmem>>
    %dma_start3A_180 = arith.constant 0 : i32
    %dma_start3A_181 = arith.constant 0 : i32
    %dma_start3A_182 = tpu.memref_slice %arg10[%dma_start3A_180, %dma_start3A_181] : memref<10112x128xf32, #tpu.memory_space<vmem_shared>> -> memref<10112x128xf32, #tpu.memory_space<vmem_shared>>
    tpu.enqueue_indirect_dma source(%dma_start3A_176 : memref<128x128xf32, #tpu.memory_space<vmem>>) target(%dma_start3A_182 : memref<10112x128xf32, #tpu.memory_space<vmem_shared>>) offsets(%dma_start3A_179 : memref<128xi32, #tpu.memory_space<vmem>>) semaphore(%arg14 : memref<!tpu.dma_semaphore, #tpu.memory_space<semaphore_mem>>) {add = true}
    %dma_wait3A_183 = arith.constant 0 : i32
    %dma_wait3A_184 = arith.constant 38 : i32
    %dma_wait3A_185 = arith.constant 0 : i32
    %dma_wait3A_186 = arith.constant 0 : i32
    %dma_wait3A_187 = tpu.memref_slice %arg9[%dma_wait3A_183, %dma_wait3A_185, %dma_wait3A_186] : memref<2x128x128xf32, #tpu.memory_space<vmem>> -> memref<1x128x128xf32, #tpu.memory_space<vmem>>
    %dma_wait3A_188 = tpu.memref_squeeze %dma_wait3A_187 : memref<1x128x128xf32, #tpu.memory_space<vmem>> -> memref<128x128xf32, #tpu.memory_space<vmem>>
    %dma_wait3A_189 = arith.constant 0 : i32
    %dma_wait3A_190 = tpu.memref_slice %arg7[%dma_wait3A_184, %dma_wait3A_189] : memref<40x128xi32, #tpu.memory_space<vmem>> -> memref<1x128xi32, #tpu.memory_space<vmem>>
    %dma_wait3A_191 = tpu.memref_squeeze %dma_wait3A_190 : memref<1x128xi32, #tpu.memory_space<vmem>> -> memref<128xi32, #tpu.memory_space<vmem>>
    %dma_wait3A_192 = arith.constant 0 : i32
    %dma_wait3A_193 = arith.constant 0 : i32
    %dma_wait3A_194 = tpu.memref_slice %arg10[%dma_wait3A_192, %dma_wait3A_193] : memref<10112x128xf32, #tpu.memory_space<vmem_shared>> -> memref<10112x128xf32, #tpu.memory_space<vmem_shared>>
    tpu.wait_indirect_dma semaphore(%arg13 : memref<!tpu.dma_semaphore, #tpu.memory_space<semaphore_mem>>) src(%dma_wait3A_188 : memref<128x128xf32, #tpu.memory_space<vmem>>) dst(%dma_wait3A_194 : memref<10112x128xf32, #tpu.memory_space<vmem_shared>>)
    %dma_wait3A_195 = arith.constant 1 : i32
    %dma_wait3A_196 = arith.constant 39 : i32
    %dma_wait3A_197 = arith.constant 0 : i32
    %dma_wait3A_198 = arith.constant 0 : i32
    %dma_wait3A_199 = tpu.memref_slice %arg9[%dma_wait3A_195, %dma_wait3A_197, %dma_wait3A_198] : memref<2x128x128xf32, #tpu.memory_space<vmem>> -> memref<1x128x128xf32, #tpu.memory_space<vmem>>
    %dma_wait3A_200 = tpu.memref_squeeze %dma_wait3A_199 : memref<1x128x128xf32, #tpu.memory_space<vmem>> -> memref<128x128xf32, #tpu.memory_space<vmem>>
    %dma_wait3A_201 = arith.constant 0 : i32
    %dma_wait3A_202 = tpu.memref_slice %arg7[%dma_wait3A_196, %dma_wait3A_201] : memref<40x128xi32, #tpu.memory_space<vmem>> -> memref<1x128xi32, #tpu.memory_space<vmem>>
    %dma_wait3A_203 = tpu.memref_squeeze %dma_wait3A_202 : memref<1x128xi32, #tpu.memory_space<vmem>> -> memref<128xi32, #tpu.memory_space<vmem>>
    %dma_wait3A_204 = arith.constant 0 : i32
    %dma_wait3A_205 = arith.constant 0 : i32
    %dma_wait3A_206 = tpu.memref_slice %arg10[%dma_wait3A_204, %dma_wait3A_205] : memref<10112x128xf32, #tpu.memory_space<vmem_shared>> -> memref<10112x128xf32, #tpu.memory_space<vmem_shared>>
    tpu.wait_indirect_dma semaphore(%arg14 : memref<!tpu.dma_semaphore, #tpu.memory_space<semaphore_mem>>) src(%dma_wait3A_200 : memref<128x128xf32, #tpu.memory_space<vmem>>) dst(%dma_wait3A_206 : memref<10112x128xf32, #tpu.memory_space<vmem_shared>>)
    %run_scoped3A_207 = arith.constant 1 : i32
    "tpu.region"() ({
      %run_scoped3A_209 = tpu.sem_alloc : memref<!tpu.dma_semaphore, #tpu.memory_space<semaphore_mem>>
      %dma_start3A_210 = arith.constant 0 : i32
      %dma_start3A_211 = arith.constant 0 : i32
      %dma_start3A_212 = tpu.memref_slice %arg9[%run_scoped3A_207, %dma_start3A_210, %dma_start3A_211] : memref<2x128x128xf32, #tpu.memory_space<vmem>> -> memref<1x128x128xf32, #tpu.memory_space<vmem>>
      %dma_start3A_213 = tpu.memref_squeeze %dma_start3A_212 : memref<1x128x128xf32, #tpu.memory_space<vmem>> -> memref<128x128xf32, #tpu.memory_space<vmem>>
      %dma_start3A_214 = arith.constant 0 : i32
      %dma_start3A_215 = arith.constant 0 : i32
      %dma_start3A_216 = tpu.memref_slice %dma_start3A_213[%dma_start3A_214, %dma_start3A_215] : memref<128x128xf32, #tpu.memory_space<vmem>> -> memref<8x128xf32, #tpu.memory_space<vmem>>
      %dma_start3A_217 = arith.constant 0 : i32
      %dma_start3A_218 = tpu.memref_slice %arg10[%mul3A_2, %dma_start3A_217] : memref<10112x128xf32, #tpu.memory_space<vmem_shared>> -> memref<8x128xf32, #tpu.memory_space<vmem_shared>>
      %dma_start3A_219 = arith.constant 0 : i32
      %dma_start3A_220 = arith.constant 0 : i32
      %dma_start3A_221 = tpu.memref_slice %arg9[%run_scoped3A_207, %dma_start3A_219, %dma_start3A_220] : memref<2x128x128xf32, #tpu.memory_space<vmem>> -> memref<1x128x128xf32, #tpu.memory_space<vmem>>
      %dma_start3A_222 = tpu.memref_squeeze %dma_start3A_221 : memref<1x128x128xf32, #tpu.memory_space<vmem>> -> memref<128x128xf32, #tpu.memory_space<vmem>>
      %dma_start3A_223 = arith.constant 0 : i32
      %dma_start3A_224 = arith.constant 0 : i32
      %dma_start3A_225 = tpu.memref_slice %dma_start3A_222[%dma_start3A_223, %dma_start3A_224] : memref<128x128xf32, #tpu.memory_space<vmem>> -> memref<8x128xf32, #tpu.memory_space<vmem>>
      %dma_start3A_226 = arith.constant 0 : i32
      %dma_start3A_227 = tpu.memref_slice %arg10[%mul3A_2, %dma_start3A_226] : memref<10112x128xf32, #tpu.memory_space<vmem_shared>> -> memref<8x128xf32, #tpu.memory_space<vmem_shared>>
      tpu.enqueue_dma source(%dma_start3A_227 : memref<8x128xf32, #tpu.memory_space<vmem_shared>>) target(%dma_start3A_225 : memref<8x128xf32, #tpu.memory_space<vmem>>) target_semaphore(%run_scoped3A_209 : memref<!tpu.dma_semaphore, #tpu.memory_space<semaphore_mem>>)
      %dma_wait3A_228 = arith.constant 0 : i32
      %dma_wait3A_229 = arith.constant 0 : i32
      %dma_wait3A_230 = tpu.memref_slice %arg9[%run_scoped3A_207, %dma_wait3A_228, %dma_wait3A_229] : memref<2x128x128xf32, #tpu.memory_space<vmem>> -> memref<1x128x128xf32, #tpu.memory_space<vmem>>
      %dma_wait3A_231 = tpu.memref_squeeze %dma_wait3A_230 : memref<1x128x128xf32, #tpu.memory_space<vmem>> -> memref<128x128xf32, #tpu.memory_space<vmem>>
      %dma_wait3A_232 = arith.constant 0 : i32
      %dma_wait3A_233 = arith.constant 0 : i32
      %dma_wait3A_234 = tpu.memref_slice %dma_wait3A_231[%dma_wait3A_232, %dma_wait3A_233] : memref<128x128xf32, #tpu.memory_space<vmem>> -> memref<8x128xf32, #tpu.memory_space<vmem>>
      %dma_wait3A_235 = arith.constant 0 : i32
      %dma_wait3A_236 = tpu.memref_slice %arg10[%mul3A_2, %dma_wait3A_235] : memref<10112x128xf32, #tpu.memory_space<vmem_shared>> -> memref<8x128xf32, #tpu.memory_space<vmem_shared>>
      %dma_wait3A_237 = arith.constant 0 : i32
      %dma_wait3A_238 = arith.constant 0 : i32
      %dma_wait3A_239 = tpu.memref_slice %arg9[%run_scoped3A_207, %dma_wait3A_237, %dma_wait3A_238] : memref<2x128x128xf32, #tpu.memory_space<vmem>> -> memref<1x128x128xf32, #tpu.memory_space<vmem>>
      %dma_wait3A_240 = tpu.memref_squeeze %dma_wait3A_239 : memref<1x128x128xf32, #tpu.memory_space<vmem>> -> memref<128x128xf32, #tpu.memory_space<vmem>>
      %dma_wait3A_241 = arith.constant 0 : i32
      %dma_wait3A_242 = arith.constant 0 : i32
      %dma_wait3A_243 = tpu.memref_slice %dma_wait3A_240[%dma_wait3A_241, %dma_wait3A_242] : memref<128x128xf32, #tpu.memory_space<vmem>> -> memref<8x128xf32, #tpu.memory_space<vmem>>
      %dma_wait3A_244 = arith.constant 0 : i32
      %dma_wait3A_245 = tpu.memref_slice %arg10[%mul3A_2, %dma_wait3A_244] : memref<10112x128xf32, #tpu.memory_space<vmem_shared>> -> memref<8x128xf32, #tpu.memory_space<vmem_shared>>
      tpu.wait_dma2 semaphore(%run_scoped3A_209 : memref<!tpu.dma_semaphore, #tpu.memory_space<semaphore_mem>>) src(%dma_wait3A_245 : memref<8x128xf32, #tpu.memory_space<vmem_shared>>) dst(%dma_wait3A_243 : memref<8x128xf32, #tpu.memory_space<vmem>>)
      tpu.yield
    }) : () -> ()
    %barrier3A_208 = arith.constant 0 : index
    tpu.barrier barrier_id(%barrier3A_208)
    "tpu.region"() ({
      %run_scoped3A_209 = tpu.sem_alloc : memref<!tpu.dma_semaphore, #tpu.memory_space<semaphore_mem>>
      %dma_start3A_210 = arith.constant 0 : i32
      %dma_start3A_211 = arith.constant 0 : i32
      %dma_start3A_212 = tpu.memref_slice %arg6[%arg0, %dma_start3A_210, %dma_start3A_211] : memref<2x10112x128xf32, #tpu.memory_space<hbm>> -> memref<1x10112x128xf32, #tpu.memory_space<hbm>>
      %dma_start3A_213 = tpu.memref_squeeze %dma_start3A_212 : memref<1x10112x128xf32, #tpu.memory_space<hbm>> -> memref<10112x128xf32, #tpu.memory_space<hbm>>
      %dma_start3A_214 = arith.constant 0 : i32
      %dma_start3A_215 = tpu.memref_slice %dma_start3A_213[%mul3A_2, %dma_start3A_214] : memref<10112x128xf32, #tpu.memory_space<hbm>> -> memref<632x128xf32, #tpu.memory_space<hbm>>
      %dma_start3A_216 = arith.constant 0 : i32
      %dma_start3A_217 = tpu.memref_slice %arg10[%mul3A_2, %dma_start3A_216] : memref<10112x128xf32, #tpu.memory_space<vmem_shared>> -> memref<632x128xf32, #tpu.memory_space<vmem_shared>>
      tpu.enqueue_dma source(%dma_start3A_217 : memref<632x128xf32, #tpu.memory_space<vmem_shared>>) target(%dma_start3A_215 : memref<632x128xf32, #tpu.memory_space<hbm>>) target_semaphore(%run_scoped3A_209 : memref<!tpu.dma_semaphore, #tpu.memory_space<semaphore_mem>>)
      %dma_wait3A_218 = arith.constant 0 : i32
      %dma_wait3A_219 = arith.constant 0 : i32
      %dma_wait3A_220 = tpu.memref_slice %arg6[%arg0, %dma_wait3A_218, %dma_wait3A_219] : memref<2x10112x128xf32, #tpu.memory_space<hbm>> -> memref<1x10112x128xf32, #tpu.memory_space<hbm>>
      %dma_wait3A_221 = tpu.memref_squeeze %dma_wait3A_220 : memref<1x10112x128xf32, #tpu.memory_space<hbm>> -> memref<10112x128xf32, #tpu.memory_space<hbm>>
      %dma_wait3A_222 = arith.constant 0 : i32
      %dma_wait3A_223 = tpu.memref_slice %dma_wait3A_221[%mul3A_2, %dma_wait3A_222] : memref<10112x128xf32, #tpu.memory_space<hbm>> -> memref<632x128xf32, #tpu.memory_space<hbm>>
      %dma_wait3A_224 = arith.constant 0 : i32
      %dma_wait3A_225 = tpu.memref_slice %arg10[%mul3A_2, %dma_wait3A_224] : memref<10112x128xf32, #tpu.memory_space<vmem_shared>> -> memref<632x128xf32, #tpu.memory_space<vmem_shared>>
      tpu.wait_dma2 semaphore(%run_scoped3A_209 : memref<!tpu.dma_semaphore, #tpu.memory_space<semaphore_mem>>) src(%dma_wait3A_225 : memref<632x128xf32, #tpu.memory_space<vmem_shared>>) dst(%dma_wait3A_223 : memref<632x128xf32, #tpu.memory_space<hbm>>)
      tpu.yield
    }) : () -> ()
    return
  }
}

module attributes {stable_mosaic.version = 14 : i64} {
  func.func @body(%arg0: i32, %arg1: memref<1000x128xf32, #tpu.memory_space<vmem>>, %arg2: memref<128x128xf32, #tpu.memory_space<vmem>>, %arg3: memref<1000x128xf32, #tpu.memory_space<vmem>>) attributes {dimension_semantics = [#tpu.dimension_semantics<arbitrary>], iteration_bounds = array<i64: 10>, scalar_prefetch = 0 : i64, scratch_operands = 0 : i64, tpu.core_type = #tpu.core_type<tc>, window_params = [{transform_indices = @transform_0, window_bounds = array<i64: 1000, 128>}, {pipeline_mode = #tpu.pipeline_mode<synchronous>, transform_indices = @transform_1, window_bounds = array<i64: 128, 128>}, {transform_indices = @transform_2, window_bounds = array<i64: 1000, 128>}]} {
    %get3A = arith.constant 0 : index
    %get3A_0 = arith.constant 0 : index
    %get3A_1 = vector.load %arg1[%get3A, %get3A_0] : memref<1000x128xf32, #tpu.memory_space<vmem>>, vector<1000x128xf32>
    %get3A_2 = arith.constant 0 : index
    %get3A_3 = arith.constant 0 : index
    %get3A_4 = vector.load %arg2[%get3A_2, %get3A_3] : memref<128x128xf32, #tpu.memory_space<vmem>>, vector<128x128xf32>
    %dot_general3A = arith.constant dense<0.000000e+00> : vector<1000x128xf32>
    %dot_general3A_5 = tpu.matmul %get3A_1, %get3A_4, %dot_general3A {dimension_numbers = #tpu.dot_dimension_numbers<[1], [0], [0], [1], [0, 0, 1, 1], [], []>, transpose_lhs_hint = false} : vector<1000x128xf32>, vector<128x128xf32>, vector<1000x128xf32> -> vector<1000x128xf32>
    %swap3A = arith.constant 0 : index
    %swap3A_6 = arith.constant 0 : index
    %swap3A_7 = vector.load %arg3[%swap3A, %swap3A_6] : memref<1000x128xf32, #tpu.memory_space<vmem>>, vector<1000x128xf32>
    tpu.vector_store %arg3[%swap3A, %swap3A_6], %dot_general3A_5 {strides = array<i32>} : memref<1000x128xf32, #tpu.memory_space<vmem>>, vector<1000x128xf32>,
    return
  }
  func.func @transform_0(%arg0: i32) -> (i32, i32) {
    %c0_i32 = arith.constant 0 : i32
    %c0_i32_0 = arith.constant 0 : i32
    return %arg0, %c0_i32 : i32, i32
  }
  func.func @transform_1(%arg0: i32) -> (i32, i32) {
    %c0_i32 = arith.constant 0 : i32
    %c0_i32_0 = arith.constant 0 : i32
    %c0_i32_1 = arith.constant 0 : i32
    return %c0_i32, %c0_i32_0 : i32, i32
  }
  func.func @transform_2(%arg0: i32) -> (i32, i32) {
    %c0_i32 = arith.constant 0 : i32
    %c0_i32_0 = arith.constant 0 : i32
    return %arg0, %c0_i32 : i32, i32
  }
}

module attributes {stable_mosaic.version = 14 : i64} {
  func.func @body(%arg0: i32, %arg1: memref<2x1000x128xf32, #tpu.memory_space<vmem>>, %arg2: memref<1x128xf32, #tpu.memory_space<vmem>>, %arg3: memref<1000x128xf32, #tpu.memory_space<vmem>>) attributes {dimension_semantics = [#tpu.dimension_semantics<arbitrary>], iteration_bounds = array<i64: 10>, scalar_prefetch = 0 : i64, scratch_operands = 0 : i64, tpu.core_type = #tpu.core_type<tc>, window_params = [{transform_indices = @transform_0, window_bounds = array<i64: 2, 1000, 128>}, {pipeline_mode = #tpu.pipeline_mode<synchronous>, transform_indices = @transform_1, window_bounds = array<i64: 1, 128>}, {transform_indices = @transform_2, window_bounds = array<i64: 1000, 128>}]} {
    %get3A = arith.constant 0 : index
    %get3A_0 = arith.constant 0 : index
    %get3A_1 = arith.constant 0 : index
    %get3A_2 = vector.load %arg1[%get3A, %get3A_0, %get3A_1] : memref<2x1000x128xf32, #tpu.memory_space<vmem>>, vector<1x1000x128xf32>
    %get3A_3 = vector.shape_cast %get3A_2 : vector<1x1000x128xf32> to vector<1000x128xf32>
    %get3A_4 = arith.constant 1 : index
    %get3A_5 = arith.constant 0 : index
    %get3A_6 = arith.constant 0 : index
    %get3A_7 = vector.load %arg1[%get3A_4, %get3A_5, %get3A_6] : memref<2x1000x128xf32, #tpu.memory_space<vmem>>, vector<1x1000x128xf32>
    %get3A_8 = vector.shape_cast %get3A_7 : vector<1x1000x128xf32> to vector<1000x128xf32>
    %add3A = arith.addf %get3A_3, %get3A_8 : vector<1000x128xf32>
    %get3A_9 = arith.constant 0 : index
    %get3A_10 = arith.constant 0 : index
    %get3A_11 = vector.load %arg2[%get3A_9, %get3A_10] : memref<1x128xf32, #tpu.memory_space<vmem>>, vector<1x128xf32>
    %add3A_12 = vector.broadcast %get3A_11 : vector<1x128xf32> to vector<1000x128xf32>
    %add3A_13 = arith.addf %add3A, %add3A_12 : vector<1000x128xf32>
    %swap3A = arith.constant 0 : index
    %swap3A_14 = arith.constant 0 : index
    %swap3A_15 = vector.load %arg3[%swap3A, %swap3A_14] : memref<1000x128xf32, #tpu.memory_space<vmem>>, vector<1000x128xf32>
    tpu.vector_store %arg3[%swap3A, %swap3A_14], %add3A_13 {strides = array<i32>} : memref<1000x128xf32, #tpu.memory_space<vmem>>, vector<1000x128xf32>,
    return
  }
  func.func @transform_0(%arg0: i32) -> (i32, i32, i32) {
    %c0_i32 = arith.constant 0 : i32
    %c0_i32_0 = arith.constant 0 : i32
    %c0_i32_1 = arith.constant 0 : i32
    return %c0_i32, %arg0, %c0_i32_0 : i32, i32, i32
  }
  func.func @transform_1(%arg0: i32) -> (i32, i32) {
    %c0_i32 = arith.constant 0 : i32
    %c0_i32_0 = arith.constant 0 : i32
    %c0_i32_1 = arith.constant 0 : i32
    return %c0_i32, %c0_i32_0 : i32, i32
  }
  func.func @transform_2(%arg0: i32) -> (i32, i32) {
    %c0_i32 = arith.constant 0 : i32
    %c0_i32_0 = arith.constant 0 : i32
    return %arg0, %c0_i32 : i32, i32
  }
}

</mosaic_0001>

<sc_bundles>
// kernel: kernel.5.cloned.1.call-start
scs
__scs_entry_jumppad:
0x0: {  	(pc) =	sbr.rel $0x88, $3  }
0x1: {  	(tag) =	ssettag $0x0;
	lr =	simm.s32 $0x1  }
0x2: {  	[smem:$0x3F9D] =	sst lr;
	_ =	strace $0xD0000000  }
0x3: {  	_ = 	snop  }
0x4: {  	_ = 	snop  }
0x5: {  	_ = 	snop  }
0x6: {  	_ = 	snop  }
0x7: {  	_ = 	snop  }
__scs_overlays_trampoline_lowered:
0x8: {  	[smem:$0x3FAC] =	sst s0  }
0x9: {  	[smem:$0x3FAD] =	sst s1  }
0xa: {  	[smem:$0x3FAE] =	sst s2  }
0xb: {  	[smem:$0x3FAF] =	sst s3  }
0xc: {  	[smem:$0x3FB0] =	sst s4  }
0xd: {  	[smem:$0x3FB1] =	sst s5  }
0xe: {  	[smem:$0x3FB2] =	sst s6  }
0xf: {  	[smem:$0x3FB3] =	sst s7  }
0x10: {  	[smem:$0x3FB4] =	sst s8  }
0x11: {  	[smem:$0x3FB5] =	sst s9;
	s0 =	simm.s32 @!p0 $0x0  }
0x12: {  	s1 =	sld [smem:$0x3F9B];
	s0 =	simm.s32 @p0 $0x1  }
0x13: {  	[smem:$0x3FB6] =	sst s0;
	s0 =	simm.s32 @!p1 $0x0  }
0x14: {  	s2 =	sld [smem:$0x3F9A];
	s0 =	simm.s32 @p1 $0x1  }
0x15: {  	[smem:$0x3FB7] =	sst s0;
	s0 =	simm.s32 @!p2 $0x0  }
0x16: {  	s3 =	sld [smem:$0x3FDB];
	s0 =	simm.s32 @p2 $0x1  }
0x17: {  	s4 =	simm.s32 $0x1BF5;
	[smem:$0x3FB9] =	sst s0  }
0x18: {  	s0 =	sld [smem:$0x3F9C];
	_ =	swait.ge [sflag:s4], $0x0  }
0x19: {  	s7 =	sld [smem:$0x3F9D]  }
0x1a: {  	s8 =	sadd.s32 $0xFFFFE003, lr  }
0x1b: {  	s9 =	sadd.s32 $0xFFFFFEF7, lr;
	s5 =	simm.s32 $0xFFFFFFFF;
	p2 =	slt.u32 s8, $0xFFFFF086  }
0x1c: {  	p1 =	slt.u32 s9, $0xF7A;
	s5 =	simm.s32 @!p2 $0x0  }
0x1d: {  	s5 =	simm.s32 @p1 $0x1;
	p0 =	seq.s32 s7, s2  }
0x1e: {  	s7 =	smul.u32 @!p0 $0xF7A, s2;
	p2 =	seq.s32 @!p0 s5, $0x0  }
0x1f: {  	s9 =	smul.u32 $0xF7A, s1;
	s8 =	simm.s32 @!p0 $0x1BF5;
	p2 =	por !p2, p0  }
0x20: {  	[sflag:s8] =	ssyncset.s32 @!p0 $0xFFFFF086;
	s6 =	sadd.s32 @!p0 s3, s7;
	s7 =	simm.s32 @!p0 $0x108  }
0x21: {  	s3 =	sadd.s32 s3, s9;
	s6 =	sadd.s32 @!p0 $0x88, s6;
	s7 =	simm.s32 @p2 $0x1082  }
0x22: {  	[simem:s7], [sflag:s8] =	dma.local @!p0 [hbm:s6], $0xF7A  }
0x23: {  	s9 =	sor.u32 $0xD0000000, s2;
	s6 =	simm.s32 $0x108;
	_ =	swait.ge @!p0 [sflag:s8], $0x0  }
0x24: {  	s3 =	sadd.s32 $0x88, s3;
	s6 =	simm.s32 @!p1 $0x1082;
	[sflag:s4] =	ssyncset.s32 $0xFFFFF086  }
0x25: {  	[simem:s6], [sflag:s4] =	dma.local [hbm:s3], $0xF7A  }
0x26: {  	[smem:$0x3F9D] =	sst s1;
	(tag) =	ssettag s2;
	_ =	strace s9  }
0x27: {  	s1 =	sld [smem:$0x3FAD]  }
0x28: {  	s2 =	sld [smem:$0x3FAE]  }
0x29: {  	s4 =	sld [smem:$0x3FB0]  }
0x2a: {  	p0 =	seq.s32 s5, $0x0;
	s5 =	sld [smem:$0x3FB1]  }
0x2b: {  	s6 =	sld [smem:$0x3FB2]  }
0x2c: {  	s7 =	sld [smem:$0x3FB3]  }
0x2d: {  	s3 =	simm.s32 $0x108;
	s8 =	sld [smem:$0x3FB4]  }
0x2e: {  	s3 =	simm.s32 @!p0 $0x1082;
	s9 =	sld [smem:$0x3FB5]  }
0x2f: {  	lr =	sadd.s32 s0, s3;
	s0 =	sld [smem:$0x3FAC]  }
0x30: {  	s3 =	sld [smem:$0x3FAF]  }
0x31: {  	[smem:$0x3FB8] =	sst s10  }
0x32: {  	s10 =	sld [smem:$0x3FB6];
	_ =	sdelay $0x3  }
0x33: {  	p0 =	seq.s32 s10, $0x1;
	s10 =	sld [smem:$0x3FB8];
	_ =	sdelay $0x3  }
0x34: {  	[smem:$0x3FB8] =	sst s10  }
0x35: {  	s10 =	sld [smem:$0x3FB7];
	_ =	sdelay $0x3  }
0x36: {  	p1 =	seq.s32 s10, $0x1;
	s10 =	sld [smem:$0x3FB8];
	_ =	sdelay $0x3  }
0x37: {  	[smem:$0x3FB8] =	sst s10  }
0x38: {  	s10 =	sld [smem:$0x3FB9]  }
0x39: {  	_ = 	snop;
	(pc) =	sbr.ind lr, $3  }
0x3a: {  	_ = 	snop  }
0x3b: {  	_ = 	snop  }
0x3c: {  	p2 =	seq.s32 s10, $0x1;
	s10 =	sld [smem:$0x3FB8]  }
0x3d: {  	_ =	shalt  }
0x3e: {  	_ =	shalt  }
0x3f: {  	_ =	shalt  }
0x40: {  	_ =	shalt  }
0x41: {  	_ =	shalt  }
0x42: {  	_ =	shalt  }
0x43: {  	_ =	shalt  }
0x44: {  	_ =	shalt  }
0x45: {  	_ =	shalt  }
0x46: {  	_ =	shalt  }
0x47: {  	_ =	shalt  }
0x48: {  	_ =	shalt  }
0x49: {  	_ =	shalt  }
0x4a: {  	_ =	shalt  }
0x4b: {  	_ =	shalt  }
0x4c: {  	_ =	shalt  }
0x4d: {  	_ =	shalt  }
0x4e: {  	_ =	shalt  }
0x4f: {  	_ =	shalt  }
0x50: {  	_ =	shalt  }
0x51: {  	_ =	shalt  }
0x52: {  	_ =	shalt  }
0x53: {  	_ =	shalt  }
0x54: {  	_ =	shalt  }
0x55: {  	_ =	shalt  }
0x56: {  	_ =	shalt  }
0x57: {  	_ =	shalt  }
0x58: {  	_ =	shalt  }
0x59: {  	_ =	shalt  }
0x5a: {  	_ =	shalt  }
0x5b: {  	_ =	shalt  }
0x5c: {  	_ =	shalt  }
0x5d: {  	_ =	shalt  }
0x5e: {  	_ =	shalt  }
0x5f: {  	_ =	shalt  }
0x60: {  	_ =	shalt  }
0x61: {  	_ =	shalt  }
0x62: {  	_ =	shalt  }
0x63: {  	_ =	shalt  }
0x64: {  	_ =	shalt  }
0x65: {  	_ =	shalt  }
0x66: {  	_ =	shalt  }
0x67: {  	_ =	shalt  }
0x68: {  	_ =	shalt  }
0x69: {  	_ =	shalt  }
0x6a: {  	_ =	shalt  }
0x6b: {  	_ =	shalt  }
0x6c: {  	_ =	shalt  }
0x6d: {  	_ =	shalt  }
0x6e: {  	_ =	shalt  }
0x6f: {  	_ =	shalt  }
0x70: {  	_ =	shalt  }
0x71: {  	_ =	shalt  }
0x72: {  	_ =	shalt  }
0x73: {  	_ =	shalt  }
0x74: {  	_ =	shalt  }
0x75: {  	_ =	shalt  }
0x76: {  	_ =	shalt  }
0x77: {  	_ =	shalt  }
0x78: {  	_ =	shalt  }
0x79: {  	_ =	shalt  }
0x7a: {  	_ =	shalt  }
0x7b: {  	_ =	shalt  }
0x7c: {  	_ =	shalt  }
0x7d: {  	_ =	shalt  }
0x7e: {  	_ =	shalt  }
0x7f: {  	_ =	shalt  }
0x80: {  	_ =	shalt  }
0x81: {  	_ =	shalt  }
0x82: {  	_ =	shalt  }
0x83: {  	_ =	shalt  }
0x84: {  	_ =	shalt  }
0x85: {  	_ =	shalt  }
0x86: {  	_ =	shalt  }
0x87: {  	_ =	shalt  }
.Lfunc_end0:
.L_simem_size_0:
called_computation_lowered:
.L_overlay_start_0:
0x88: {  	s2 =	sld [smem:$0x3FD9]  }
0x89: {  	s3 =	sld [smem:$0x3FFE];
	_ =	sdelay $0x1  }
0x8a: {  	s1 =	srdreg.scid  }
0x8b: {  	s0 =	sand.u32 $0x1, s1  }
0x8c: {  	s17 =	sshll.u32 s0, $0xA;
	s2 =	sadd.s32 s3, s2  }
0x8d: {  	s2 =	sadd.s32 s2, s17  }
0x8e: {  	[smem:$0x3FC4] =	sst s2  }
0x8f: {  	_ = 	snop  }
0x90: {  	s2 =	sld [smem:$0x3FD0];
	(tm) =	ssettm $0x1  }
0x91: {  	s18 =	sld [smem:$0x3FFB];
	_ =	sdelay $0x3  }
0x92: {  	_ =	strace s18  }
0x93: {  	s3 =	sld [smem:$0x3FFC];
	_ =	sdelay $0x3  }
0x94: {  	_ =	strace s3  }
0x95: {  	s3 =	sld [smem:$0x3FFD];
	_ =	sdelay $0x3  }
0x96: {  	_ =	strace s3  }
0x97: {  	_ =	strace $0x8FFFFFFF  }
0x98: {  	s19 =	sld [smem:$0x3FDB];
	_ =	sdelay $0x1  }
0x99: {  	s4 =	simm.s32 $_scs_section_size  }
0x9a: {  	s5 =	simm.s32 $_size__tile_overlayer_lowered;
	s6 =	simm.s32 $_tile_overlayer_lowered  }
0x9b: {  	s22 =	simm.s32 $0x1BFF;
	s21 =	sshll.u32 s6, $0x1;
	s3 =	sadd.s32 s4, s19  }
0x9c: {  	s7 =	simm.s32 $0x0;
	s20 =	sshll.u32 s5, $0x1;
	s5 =	sadd.s32 s21, s3  }
0x9d: {  	[timem:s7], [sflag:s22] =	dma.local [hbm:s5], s20  }
0x9e: {  	_ =	swait.ge [sflag:s22], s20  }
0x9f: {  	s4 =	ssub.s32 $0x0, s20;
	[sflag:s22] =	ssyncset.done $0x0  }
0xa0: {  	[sflag:s22] =	ssyncadd.s32 s4;
	_ =	sdelay $0x1  }
0xa1: {  	s23 =	simm.s32 $0x1B8B  }
0xa2: {  	_ =	swait.ge [sflag:s23], $0x1  }
0xa3: {  	[sflag:s23] =	ssyncset.done $0x0  }
0xa4: {  	s25 =	simm.s32 $0x1B8E;
	s24 =	sld [smem:$0x3FFE];
	[sflag:s23] =	ssyncadd.s32 $0xFFFFFFFF  }
0xa5: {  	s26 =	simm.s32 $execute0_lowered;
	[smem:$0x3FD2] =	sst s25  }
0xa6: {  	s5 =	sshll.u32 s26, $0x1;
	_ =	strace $0x80000046;
	[dreg:$0x1] =	wrdreg $0xFFFFFFFF  }
0xa7: {  	s28 =	simm.s32 $_size_execute0_lowered;
	s3 =	sadd.s32 s3, s5;
	[dreg:$0x0] =	wrdreg $0x0  }
0xa8: {  	s5 =	sshll.u32 s28, $0x1;
	[dreg:$0x2] =	wrdreg s3  }
0xa9: {  	[dreg:$0x3] =	wrdreg s5  }
0xaa: {  	[dreg:$0x4] =	wrdreg $0xC0  }
0xab: {  	_ =	task [dreg:s7], $0x5FFFF  }
0xac: {  	[dreg:$0x1] =	wrdreg $0xFFFFFFFF  }
0xad: {  	[dreg:$0x0] =	wrdreg $0x60  }
0xae: {  	[dreg:$0x2] =	wrdreg s2  }
0xaf: {  	[dreg:$0x3] =	wrdreg s24  }
0xb0: {  	[dreg:$0x4] =	wrdreg $0xA8000  }
0xb1: {  	[dreg:$0x5] =	wrdreg $0x9  }
0xb2: {  	_ =	task.clear_ibuf [dreg:s7], $0x6FFFF;
	_ =	strace $0x90000046  }
0xb3: {  	s29 =	simm.s32 $0x9;
	_ =	strace $0x80000048  }
0xb4: {  	_ =	swait.ge [sflag:s29], $0x1  }
0xb5: {  	[sflag:s29] =	ssyncadd.s32 $0xFFFFFFFF  }
0xb6: {  	_ =	strace $0x90000048  }
0xb7: {  	_ =	sfence  }
0xb8: {  	s30 =	sld [smem:$0x0];
	_ =	sdelay $0x2  }
0xb9: {  	s31 =	sshll.u32 s1, $0xD;
	s1 =	sshrl.u32 s1, $0x2  }
0xba: {  	s3 =	sand.u32 $0x4000, s31;
	s1 =	sadd.s32 s1, s30  }
0xbb: {  	s0 =	sor.u32 s3, s0;
	s1 =	sshll.u32 s1, $0x11  }
0xbc: {  	s0 =	sor.u32 s1, s0  }
0xbd: {  	s0 =	sadd.s32 $0x8F2B, s0  }
0xbe: {  	[sflag:s0] =	ssyncadd.remote.s32 $0x1  }
0xbf: {  	_ =	sfence.sel $0xFFFF  }
0xc0: {  	[dreg:$0x0] =	wrdreg $0xFFFFFFFF;
	(pc) =	sbr.abs _section_cstart, $3  }
0xc1: {  	[dreg:$0x1] =	wrdreg $0xFFFFFFFF  }
0xc2: {  	_ =	task.clear_ibuf [dreg:s7], $0x2FFFF;
	_ =	strace $0x9FFFFFFF  }
0xc3: {  	(tm) =	ssettm $0x7FFFFFFF  }
tec
execute0_lowered:
.L_overlay_start_1:
0x0: {  	(tag) =	ssettag $0x1  }
0x1: {  	s1 =	rddreg [dreg:$0x0];
	s2 =	srdreg.scid  }
0x2: {  	s0 =	stileid.u32;
	s6 =	rddreg [dreg:$0x1]  }
0x3: {  	s3 =	rddreg [dreg:$0x2];
	s4 =	simm.s32 $0x0;
	s13 =	simm.s32 $0x5  }
0x4: {  	s14 =	simm.s32 $0x2800;
	s15 =	simm.s32 $0x1400;
	s16 =	simm.s32 $0x80  }
0x5: {  	s17 =	simm.s32 $0x1480;
	s18 =	simm.s32 $0x6800;
	s19 =	simm.s32 $0x1  }
0x6: {  	s20 =	simm.s32 $0x2;
	s21 =	simm.s32 $0x3;
	s22 =	simm.s32 $0x4  }
0x7: {  	s23 =	simm.s32 $0x1300;
	s26 =	simm.s32 $0x0;
	s7 =	sand.u32 $0x1, s2  }
0x8: {  	s28 =	sshll.u32 s0, $0x1;
	s2 =	rddreg [dreg:$0x3];
	s9 =	smul.u32 $0x4F000, s0  }
0x9: {  	[smem:$0x7FF] =	sst s4;
	s31 =	sshll.u32 s0, $0x6;
	s25 =	smul.u32 $0x2780, s0  }
0xa: {  	s5 =	sor.u32 s7, s28;
	s8 =	smul.u32 $0x27800, s7;
	s29 =	ssub.s32 $0x2, s7  }
0xb: {  	_ =	strace $0x80000047;
	s5 =	smul.u32 $0x500, s5;
	s7 =	sshrl.u32 s29, $0x1  }
0xc: {  	s30 =	sshrl.u32 s9, $0x2;
	s11 =	sadd.s32 s8, s6;
	s12 =	ssub.s32 s29, s7  }
0xd: {  	s7 =	sor.u32 $0x1C05, s31;
	s10 =	sadd.s32 s5, s6;
	s5 =	sadd.s32 $0x14800, s6  }
0xe: {  	s6 =	sadd.s32 s30, s3;
	s24 =	sadd.s32 $0x17000, s11;
	s11 =	smax.u32 s12, $0x1  }
0xf: {  	s8 =	sadd.s32 $0x13800, s6;
	s9 =	sadd.s32 $0x800, s10;
	s10 =	sadd.s32 $0xA800, s10  }
0x10: {  	s12 =	sshrl.u32 s6, $0x3;
	s24 =	sadd.s32 s25, s24;
	s25 =	simm.s32 $0x1380  }
.LBB2_1:
0x11: {  	[spmem:s12], [sflag:s7] =	dma.local [hbm:s5], $0x2780  }
0x12: {  	_ =	swait.ge [sflag:s13], $0x2780  }
0x13: {  	[sflag:s13] =	ssyncset.done $0x0  }
0x14: {  	[sflag:s13] =	ssyncadd.s32 $0xFFFFD880  }
0x15: {  	[tilespmem:s14], [sflag:$0x5] =	stream.linear.gather [spmem:s8], $0x400, $0x38;
	[tilespmem:$0x1E400] =	vst v63  }
0x16: {  	_ =	swait.ge [sflag:s13], $0x400  }
0x17: {  	[sflag:s13] =	ssyncset.done $0x0  }
0x18: {  	[sflag:s13] =	ssyncadd.s32 $0xFFFFFC00  }
0x19: {  	[bflag:$0x0] =	sbarrier.arrive $0xFFFF  }
0x1a: {  	[tilespmem:s4], [sflag:$0x5] =	stream.linear.gather [hbm4b:s9+s4], $0x1400, $0x38;
	[tilespmem:$0x1E400] =	vst v63  }
0x1b: {  	_ =	swait.ge [sflag:s13], $0x1400  }
0x1c: {  	[sflag:s13] =	ssyncset.done $0x0  }
0x1d: {  	[sflag:s13] =	ssyncadd.s32 $0xFFFFEC00  }
0x1e: {  	[tilespmem:s15], [sflag:$0x5] =	stream.linear.gather [hbm4b:s10+s4], $0x1400, $0x38;
	[tilespmem:$0x1E400] =	vst v63  }
0x1f: {  	_ =	swait.ge [sflag:s13], $0x1400  }
0x20: {  	[sflag:s13] =	ssyncset.done $0x0  }
0x21: {  	[sflag:s13] =	ssyncadd.s32 $0xFFFFEC00  }
0x22: {  	[tilespmem:s14], [sflag:$0x1] =	stream.indirect.gather [hbm4b:s1+s16], $0x80, s15, s16, $0xb8;
	[tilespmem:$0x1E400] =	vst v63  }
0x23: {  	_ = 	snop  }
0x24: {  	[tilespmem:s18], [sflag:$0x2] =	stream.indirect.gather [hbm4b:s1+s16], $0x80, s17, s16, $0xb8;
	[tilespmem:$0x1E400] =	vst v63  }
0x25: {  	_ =	swait.ge [sflag:s19], $0x4000  }
0x26: {  	[sflag:s19] =	ssyncset.done $0x0  }
0x27: {  	s28 =	simm.s32 $0x0;
	[sflag:s19] =	ssyncadd.s32 $0xFFFFC000  }
0x28: {  	[spmem:s3] =	stream.indirect.scatter.add.f32 [tilespmem:s14], [sflag:$0x3], $0x80, s28, s16, $0xb8;
	[tilespmem:$0x1E400] =	vst v63  }
0x29: {  	_ =	swait.ge [sflag:s20], $0x4000  }
0x2a: {  	[sflag:s20] =	ssyncset.done $0x0  }
0x2b: {  	s28 =	simm.s32 $0x80;
	[sflag:s20] =	ssyncadd.s32 $0xFFFFC000  }
0x2c: {  	[spmem:s3] =	stream.indirect.scatter.add.f32 [tilespmem:s18], [sflag:$0x4], $0x80, s28, s16, $0xb8;
	[tilespmem:$0x1E400] =	vst v63  }
0x2d: {  	_ =	swait.ge [sflag:s21], $0x4000  }
0x2e: {  	[sflag:s21] =	ssyncset.done $0x0  }
0x2f: {  	s28 =	simm.s32 $0x1500;
	[sflag:s21] =	ssyncadd.s32 $0xFFFFC000  }
0x30: {  	[tilespmem:s14], [sflag:$0x1] =	stream.indirect.gather [hbm4b:s1+s16], $0x80, s28, s16, $0xb8;
	[tilespmem:$0x1E400] =	vst v63  }
0x31: {  	_ =	swait.ge [sflag:s22], $0x4000  }
0x32: {  	[sflag:s22] =	ssyncset.done $0x0  }
0x33: {  	s29 =	simm.s32 $0x1580;
	s28 =	simm.s32 $0x400;
	[sflag:s22] =	ssyncadd.s32 $0xFFFFC000  }
.LBB2_2:
0x34: {  	[tilespmem:s18], [sflag:$0x2] =	stream.indirect.gather [hbm4b:s1+s16], $0x80, s29, s16, $0xb8;
	[tilespmem:$0x1E400] =	vst v63  }
0x35: {  	s29 =	smov.u32 s28  }
0x36: {  	p0 =	sne.s32 s28, $0x4800;
	s28 =	sadd.s32 $0x400, s28;
	_ =	swait.ge [sflag:s19], $0x4000  }
0x37: {  	[sflag:s19] =	ssyncset.done $0x0  }
0x38: {  	s29 =	sshra.s32 s29, $0x2;
	[sflag:s19] =	ssyncadd.s32 $0xFFFFC000  }
0x39: {  	[spmem:s3] =	stream.indirect.scatter.add.f32 [tilespmem:s14], [sflag:$0x3], $0x80, s29, s16, $0xb8;
	[tilespmem:$0x1E400] =	vst v63  }
0x3a: {  	_ =	swait.ge [sflag:s20], $0x4000  }
0x3b: {  	[sflag:s20] =	ssyncset.done $0x0  }
0x3c: {  	s30 =	sadd.s32 $0x80, s29;
	[sflag:s20] =	ssyncadd.s32 $0xFFFFC000  }
0x3d: {  	[spmem:s3] =	stream.indirect.scatter.add.f32 [tilespmem:s18], [sflag:$0x4], $0x80, s30, s16, $0xb8;
	[tilespmem:$0x1E400] =	vst v63  }
0x3e: {  	_ =	swait.ge [sflag:s21], $0x4000  }
0x3f: {  	[sflag:s21] =	ssyncset.done $0x0  }
.Ltmp0:
0x40: {  	s30 =	sadd.s32 $0x1500, s29;
	[sflag:s21] =	ssyncadd.s32 $0xFFFFC000;
	(pc) =	sbr.rel @p0 .LBB2_2-.Ltmp0, $4  }
0x41: {  	[tilespmem:s14], [sflag:$0x1] =	stream.indirect.gather [hbm4b:s1+s16], $0x80, s30, s16, $0xb8;
	[tilespmem:$0x1E400] =	vst v63  }
0x42: {  	_ =	swait.ge [sflag:s22], $0x4000  }
0x43: {  	[sflag:s22] =	ssyncset.done $0x0  }
0x44: {  	s29 =	sadd.s32 $0x1580, s29;
	[sflag:s22] =	ssyncadd.s32 $0xFFFFC000  }
0x45: {  	[tilespmem:s18], [sflag:$0x2] =	stream.indirect.gather [hbm4b:s1+s16], $0x80, s29, s16, $0xb8;
	[tilespmem:$0x1E400] =	vst v63  }
0x46: {  	_ =	swait.ge [sflag:s19], $0x4000  }
0x47: {  	[sflag:s19] =	ssyncset.done $0x0  }
0x48: {  	[sflag:s19] =	ssyncadd.s32 $0xFFFFC000  }
0x49: {  	[spmem:s3] =	stream.indirect.scatter.add.f32 [tilespmem:s14], [sflag:$0x3], $0x80, s23, s16, $0xb8;
	[tilespmem:$0x1E400] =	vst v63  }
0x4a: {  	_ =	swait.ge [sflag:s20], $0x4000  }
0x4b: {  	[sflag:s20] =	ssyncset.done $0x0  }
0x4c: {  	[sflag:s20] =	ssyncadd.s32 $0xFFFFC000  }
0x4d: {  	[spmem:s3] =	stream.indirect.scatter.add.f32 [tilespmem:s18], [sflag:$0x4], $0x80, s25, s16, $0xb8;
	[tilespmem:$0x1E400] =	vst v63  }
0x4e: {  	_ =	swait.ge [sflag:s21], $0x4000  }
0x4f: {  	[sflag:s21] =	ssyncset.done $0x0  }
0x50: {  	[sflag:s21] =	ssyncadd.s32 $0xFFFFC000  }
0x51: {  	_ =	swait.ge [sflag:s22], $0x4000  }
0x52: {  	[sflag:s22] =	ssyncset.done $0x0  }
0x53: {  	s28 =	sadd.s32 $0x280, s9;
	s29 =	simm.s32 $0x0;
	[sflag:s22] =	ssyncadd.s32 $0xFFFFC000  }
0x54: {  	[tilespmem:s29], [sflag:$0x5] =	stream.linear.gather [hbm4b:s28+s29], $0x1400, $0x38;
	[tilespmem:$0x1E400] =	vst v63  }
0x55: {  	_ =	swait.ge [sflag:s13], $0x1400  }
0x56: {  	[sflag:s13] =	ssyncset.done $0x0  }
0x57: {  	s28 =	sadd.s32 $0x280, s10;
	[sflag:s13] =	ssyncadd.s32 $0xFFFFEC00  }
0x58: {  	[tilespmem:s15], [sflag:$0x5] =	stream.linear.gather [hbm4b:s28+s29], $0x1400, $0x38;
	[tilespmem:$0x1E400] =	vst v63  }
0x59: {  	_ =	swait.ge [sflag:s13], $0x1400  }
0x5a: {  	[sflag:s13] =	ssyncset.done $0x0  }
0x5b: {  	[sflag:s13] =	ssyncadd.s32 $0xFFFFEC00  }
0x5c: {  	[tilespmem:s14], [sflag:$0x1] =	stream.indirect.gather [hbm4b:s1+s16], $0x80, s15, s16, $0xb8;
	[tilespmem:$0x1E400] =	vst v63  }
0x5d: {  	_ = 	snop  }
0x5e: {  	[tilespmem:s18], [sflag:$0x2] =	stream.indirect.gather [hbm4b:s1+s16], $0x80, s17, s16, $0xb8;
	[tilespmem:$0x1E400] =	vst v63  }
0x5f: {  	_ =	swait.ge [sflag:s19], $0x4000  }
0x60: {  	[sflag:s19] =	ssyncset.done $0x0  }
0x61: {  	s28 =	simm.s32 $0x0;
	[sflag:s19] =	ssyncadd.s32 $0xFFFFC000  }
0x62: {  	[spmem:s3] =	stream.indirect.scatter.add.f32 [tilespmem:s14], [sflag:$0x3], $0x80, s28, s16, $0xb8;
	[tilespmem:$0x1E400] =	vst v63  }
0x63: {  	_ =	swait.ge [sflag:s20], $0x4000  }
0x64: {  	[sflag:s20] =	ssyncset.done $0x0  }
0x65: {  	s28 =	simm.s32 $0x80;
	[sflag:s20] =	ssyncadd.s32 $0xFFFFC000  }
0x66: {  	[spmem:s3] =	stream.indirect.scatter.add.f32 [tilespmem:s18], [sflag:$0x4], $0x80, s28, s16, $0xb8;
	[tilespmem:$0x1E400] =	vst v63  }
0x67: {  	_ =	swait.ge [sflag:s21], $0x4000  }
0x68: {  	[sflag:s21] =	ssyncset.done $0x0  }
0x69: {  	s28 =	simm.s32 $0x1500;
	[sflag:s21] =	ssyncadd.s32 $0xFFFFC000  }
0x6a: {  	[tilespmem:s14], [sflag:$0x1] =	stream.indirect.gather [hbm4b:s1+s16], $0x80, s28, s16, $0xb8;
	[tilespmem:$0x1E400] =	vst v63  }
0x6b: {  	_ =	swait.ge [sflag:s22], $0x4000  }
0x6c: {  	[sflag:s22] =	ssyncset.done $0x0  }
0x6d: {  	s29 =	simm.s32 $0x1580;
	s28 =	simm.s32 $0x400;
	[sflag:s22] =	ssyncadd.s32 $0xFFFFC000  }
.LBB2_4:
0x6e: {  	[tilespmem:s18], [sflag:$0x2] =	stream.indirect.gather [hbm4b:s1+s16], $0x80, s29, s16, $0xb8;
	[tilespmem:$0x1E400] =	vst v63  }
0x6f: {  	s29 =	smov.u32 s28  }
0x70: {  	p0 =	sne.s32 s28, $0x4800;
	s28 =	sadd.s32 $0x400, s28;
	_ =	swait.ge [sflag:s19], $0x4000  }
0x71: {  	[sflag:s19] =	ssyncset.done $0x0  }
0x72: {  	s29 =	sshra.s32 s29, $0x2;
	[sflag:s19] =	ssyncadd.s32 $0xFFFFC000  }
0x73: {  	[spmem:s3] =	stream.indirect.scatter.add.f32 [tilespmem:s14], [sflag:$0x3], $0x80, s29, s16, $0xb8;
	[tilespmem:$0x1E400] =	vst v63  }
0x74: {  	_ =	swait.ge [sflag:s20], $0x4000  }
0x75: {  	[sflag:s20] =	ssyncset.done $0x0  }
0x76: {  	s30 =	sadd.s32 $0x80, s29;
	[sflag:s20] =	ssyncadd.s32 $0xFFFFC000  }
0x77: {  	[spmem:s3] =	stream.indirect.scatter.add.f32 [tilespmem:s18], [sflag:$0x4], $0x80, s30, s16, $0xb8;
	[tilespmem:$0x1E400] =	vst v63  }
0x78: {  	_ =	swait.ge [sflag:s21], $0x4000  }
0x79: {  	[sflag:s21] =	ssyncset.done $0x0  }
.Ltmp1:
0x7a: {  	s30 =	sadd.s32 $0x1500, s29;
	[sflag:s21] =	ssyncadd.s32 $0xFFFFC000;
	(pc) =	sbr.rel @p0 .LBB2_4-.Ltmp1, $4  }
0x7b: {  	[tilespmem:s14], [sflag:$0x1] =	stream.indirect.gather [hbm4b:s1+s16], $0x80, s30, s16, $0xb8;
	[tilespmem:$0x1E400] =	vst v63  }
0x7c: {  	_ =	swait.ge [sflag:s22], $0x4000  }
0x7d: {  	[sflag:s22] =	ssyncset.done $0x0  }
0x7e: {  	s29 =	sadd.s32 $0x1580, s29;
	[sflag:s22] =	ssyncadd.s32 $0xFFFFC000  }
0x7f: {  	[tilespmem:s18], [sflag:$0x2] =	stream.indirect.gather [hbm4b:s1+s16], $0x80, s29, s16, $0xb8;
	[tilespmem:$0x1E400] =	vst v63  }
0x80: {  	_ =	swait.ge [sflag:s19], $0x4000  }
0x81: {  	[sflag:s19] =	ssyncset.done $0x0  }
0x82: {  	[sflag:s19] =	ssyncadd.s32 $0xFFFFC000  }
0x83: {  	[spmem:s3] =	stream.indirect.scatter.add.f32 [tilespmem:s14], [sflag:$0x3], $0x80, s23, s16, $0xb8;
	[tilespmem:$0x1E400] =	vst v63  }
0x84: {  	_ =	swait.ge [sflag:s20], $0x4000  }
0x85: {  	[sflag:s20] =	ssyncset.done $0x0  }
0x86: {  	[sflag:s20] =	ssyncadd.s32 $0xFFFFC000  }
0x87: {  	[spmem:s3] =	stream.indirect.scatter.add.f32 [tilespmem:s18], [sflag:$0x4], $0x80, s25, s16, $0xb8;
	[tilespmem:$0x1E400] =	vst v63  }
0x88: {  	_ =	swait.ge [sflag:s21], $0x4000  }
0x89: {  	[sflag:s21] =	ssyncset.done $0x0  }
0x8a: {  	[sflag:s21] =	ssyncadd.s32 $0xFFFFC000  }
0x8b: {  	_ =	swait.ge [sflag:s22], $0x4000  }
0x8c: {  	[sflag:s22] =	ssyncset.done $0x0  }
0x8d: {  	[sflag:s22] =	ssyncadd.s32 $0xFFFFC000  }
0x8e: {  	[tilespmem:s18], [sflag:$0x5] =	stream.linear.gather [spmem:s6], $0x400, $0x38;
	[tilespmem:$0x1E400] =	vst v63  }
0x8f: {  	_ =	swait.ge [sflag:s13], $0x400  }
0x90: {  	s26 =	sadd.s32 $0x1, s26;
	[sflag:s13] =	ssyncset.done $0x0  }
0x91: {  	p0 =	sne.s32 s26, s11;
	[sflag:s13] =	ssyncadd.s32 $0xFFFFFC00  }
.Ltmp2:
0x92: {  	[bflag:$0x0] =	sbarrier.arrive $0xFFFF;
	(pc) =	sbr.rel @p0 .LBB2_1-.Ltmp2, $4  }
0x93: {  	[hbm:s24], [sflag:s7] =	dma.local [spmem:s12], $0x2780  }
0x94: {  	_ =	swait.ge [sflag:s13], $0x2780  }
0x95: {  	[sflag:s13] =	ssyncset.done $0x0  }
0x96: {  	[sflag:s13] =	ssyncadd.s32 $0xFFFFD880  }
0x97: {  	_ =	sfence.sel $0x180000  }
0x98: {  	[bflag:$0x0] =	sbarrier.arrive $0xFFFF  }
0x99: {  	p0 =	sne.s32 s0, $0x0;
	_ =	strace $0x90000047  }
0x9a: {  	s0 =	sadd.s32 @!p0 $0x100000, s2;
	[bflag:$0x2] =	sbarrier.arrive $0xFFFF  }
0x9b: {  	[sflag:s0] =	ssyncadd.tile.s32 @!p0 $0x1;
	_ =	shalt  }
.Lfunc_end2:
_tile_overlayer_lowered:
.L_overlay_start_2:
0x9c: {  	(tag) =	ssettag $0x2  }
0x9d: {  	s0 =	rddreg [dreg:$0x0];
	s2 =	stileid.u32  }
0x9e: {  	s1 =	rddreg [dreg:$0x1];
	p0 =	sne.s32 s2, $0x0  }
0x9f: {  	s3 =	rddreg [dreg:$0x2];
	[bflag:$0x3] =	sbarrier.arrive $0xFFFF;
	s2 =	simm.s32 @!p0 $0x1C05  }
0xa0: {  	[timem:s3], [sflag:s2] =	dma.local @!p0 [hbm:s0], s1  }
0xa1: {  	s0 =	simm.s32 @!p0 $0x5  }
0xa2: {  	_ =	swait.ge @!p0 [sflag:s0], s1  }
0xa3: {  	s1 =	ssub.s32 @!p0 $0x0, s1;
	[sflag:s0] =	ssyncset.done @!p0 $0x0  }
0xa4: {  	[sflag:s0] =	ssyncadd.s32 @!p0 s1  }
0xa5: {  	[bflag:$0x3] =	sbarrier.arrive $0xFFFF  }
0xa6: {  	_ =	shalt  }

</sc_bundles>
